<compile_context>
chip_gen: v7x
topology: tpu7x:2x2x1
jax: 0.10.2.dev20260603
libtpu: 0.0.44.dev20260713+nightly
codegen_flags: <defaults>
</compile_context>

<pallas_src>
import functools

import jax
import jax.numpy as jnp
from jax import lax
from jax.experimental import pallas as pl
from jax.experimental.pallas import tpu as pltpu
from jax.experimental.pallas import tpu_sc as plsc

VOCAB = 100000
DIM = 32
B = 1024
L = 50

NC = 2
NS = 16
NW = NC * NS
BPW = B // NW
IPW = BPW * L
CHUNK = 2 * L
NCHUNK = IPW // CHUNK

_HALF = DIM // 2


def _means_body(table_hbm, idx_hbm, out_hbm, idx_v, rows_v, out_v, sem):
    wid = lax.axis_index("s") * NC + lax.axis_index("c")
    pltpu.sync_copy(idx_hbm.at[wid], idx_v)
    copies = []
    for c in range(NCHUNK):
        copies.append(
            pltpu.async_copy(
                table_hbm.at[idx_v.at[c]],
                rows_v.at[pl.ds(c * CHUNK, CHUNK)],
                sem,
            )
        )
    for c in copies:
        c.wait()

    inv_l = jnp.float32(1.0 / L)

    def body_b(b, carry):
        def body_l(l, acc):
            a0, a1 = acc
            r = b * L + l
            a0 = a0 + rows_v[r, pl.ds(0, _HALF)]
            a1 = a1 + rows_v[r, pl.ds(_HALF, _HALF)]
            return a0, a1

        z = jnp.zeros((_HALF,), jnp.float32)
        a0, a1 = lax.fori_loop(0, L, body_l, (z, z))
        out_v[b, pl.ds(0, _HALF)] = a0 * inv_l
        out_v[b, pl.ds(_HALF, _HALF)] = a1 * inv_l
        return carry

    lax.fori_loop(0, BPW, body_b, 0)
    pltpu.sync_copy(out_v, out_hbm.at[pl.ds(wid * BPW, BPW)])


@functools.cache
def _means_call():
    return functools.partial(
        pl.kernel,
        out_type=jax.ShapeDtypeStruct((B, DIM), jnp.float32),
        mesh=plsc.VectorSubcoreMesh(core_axis_name="c", subcore_axis_name="s"),
        scratch_types=[
            pltpu.VMEM((NCHUNK, CHUNK), jnp.int32),
            pltpu.VMEM((IPW, DIM), jnp.float32),
            pltpu.VMEM((BPW, DIM), jnp.float32),
            pltpu.SemaphoreType.DMA,
        ],
        compiler_params=pltpu.CompilerParams(use_tc_tiling_on_sc=False),
    )(_means_body)


RPC = 32
NCH = B // RPC
NBUF = 2

_TW = 12800
_NT = -(-VOCAB // _TW)
_TOFF = [t * _TW for t in range(_NT)]
_TWID = [min(_TW, VOCAB - o) for o in _TOFF]


def _fused_kernel(means_ref, w_ref, out_hbm, buf, sem):
    i = pl.program_id(0)
    slot = lax.rem(i, NBUF)

    mc = means_ref[pl.ds(i * RPC, RPC), :]
    s = jnp.zeros((RPC, 1), jnp.float32)
    for t in range(_NT):
        sl = pl.ds(_TOFF[t], _TWID[t])

        @pl.when(i >= NBUF)
        def _(t=t, sl=sl):
            pltpu.make_async_copy(
                buf.at[slot, :, sl],
                out_hbm.at[pl.ds(0, RPC), sl],
                sem.at[slot, t],
            ).wait()

        v = lax.dot_general(
            mc, w_ref[:, sl],
            (((1,), (0,)), ((), ())),
            preferred_element_type=jnp.float32,
        )
        buf[slot, :, sl] = v
        s = s + jnp.sum(jnp.exp(v), axis=1, keepdims=True)
    lse = jnp.log(s)
    for t in range(_NT):
        sl = pl.ds(_TOFF[t], _TWID[t])
        buf[slot, :, sl] = buf[slot, :, sl] - lse
        pltpu.make_async_copy(
            buf.at[slot, :, sl],
            out_hbm.at[pl.ds(i * RPC, RPC), sl],
            sem.at[slot, t],
        ).start()

    @pl.when(i == NCH - 1)
    def _():
        for k in range(NBUF):
            for t in range(_NT):
                sl = pl.ds(_TOFF[t], _TWID[t])
                pltpu.make_async_copy(
                    buf.at[k, :, sl],
                    out_hbm.at[pl.ds(0, RPC), sl],
                    sem.at[k, t],
                ).wait()


def _log_softmax_matmul(means, W):
    return pl.pallas_call(
        _fused_kernel,
        grid=(NCH,),
        in_specs=[
            pl.BlockSpec((B, DIM), lambda i: (0, 0)),
            pl.BlockSpec((DIM, VOCAB), lambda i: (0, 0)),
        ],
        out_specs=pl.BlockSpec(memory_space=pl.ANY),
        out_shape=jax.ShapeDtypeStruct((B, VOCAB), jnp.float32),
        scratch_shapes=[
            pltpu.VMEM((NBUF, RPC, VOCAB), jnp.float32),
            pltpu.SemaphoreType.DMA((NBUF, _NT)),
        ],
    )(means, W)


def kernel(inputs, table, W):
    idx = inputs.astype(jnp.int32).reshape(NW, NCHUNK, CHUNK)
    means = _means_call()(table, idx)
    return _log_softmax_matmul(means, W.T)

# --- scband reference (transcript-rebuilt; emitter-appended) ---
"""Pipeline reference for scband-cbow-18777597018451 (READ-ONLY COPY).

The authoritative reference and input builder live on the scoring server;
editing this copy changes nothing except your own understanding.
"""

import jax, jax.numpy as jnp
import numpy as np

VOCAB = 100000
DIM = 32
B = 1024
L = 50


def setup_inputs(seed: int = 0) -> dict:
    key = jax.random.key(seed)
    k1, k2, k3 = jax.random.split(key, 3)
    inputs = jax.random.randint(k1, (B, L), 0, VOCAB)
    # Embedding table (padding_idx=0 -> row 0 is zeros, matching nn.Embedding(padding_idx=0))
    table = jax.random.normal(k2, (VOCAB, DIM), dtype=jnp.float32)
    table = table.at[0].set(0.0)
    # Output projection weight of nn.Linear(embedding_dim, vocab_size, bias=False): shape [vocab, dim]
    W = jax.random.normal(k3, (VOCAB, DIM), dtype=jnp.float32) * 0.02
    return {"inputs": inputs, "table": table, "W": W}


def reference(inputs, table, W):
    # Enforce padding_idx=0 semantics (row 0 contributes zeros)
    t = table.at[0].set(0.0)
    # embedding lookup: [B, L, DIM]
    embeds = jnp.take(t, inputs, axis=0)
    # mean over context window: [B, DIM]
    means = jnp.mean(embeds, axis=1)
    # linear projection (no bias): [B, VOCAB]
    logits = means @ W.T
    # log_softmax over vocab
    return jax.nn.log_softmax(logits, axis=1)

if __name__ == "__main__":
    import jax
    _d = setup_inputs()
    print(jax.jit(kernel)(*tuple(_d.values())))

</pallas_src>

<mosaic_0001>
#map = affine_map<(d0, d1) -> (0, 0)>
#map1 = affine_map<(d0, d1) -> (0, 0, 0)>
module attributes {stable_mosaic.version = 14 : i64} {
  func.func @_means_body(%arg0: i32, %arg1: i32, %arg2: memref<100000x32xf32, #tpu.memory_space<hbm>>, %arg3: memref<32x16x100xi32, #tpu.memory_space<hbm>>, %arg4: memref<1024x32xf32, #tpu.memory_space<hbm>>, %arg5: memref<16x100xi32, #tpu.memory_space<vmem>>, %arg6: memref<1600x32xf32, #tpu.memory_space<vmem>>, %arg7: memref<32x32xf32, #tpu.memory_space<vmem>>, %arg8: memref<!tpu.dma_semaphore, #tpu.memory_space<semaphore_mem>>) attributes {dimension_semantics = [#tpu.dimension_semantics<core_parallel>, #tpu.dimension_semantics<subcore_parallel>], iteration_bounds = array<i64: 2, 16>, scalar_prefetch = 0 : i64, scratch_operands = 4 : i64, tpu.core_type = #tpu.core_type<sc_vector_subcore>, window_params = [{transform_indices = #map}, {transform_indices = #map1}, {transform_indices = #map}]} {
    %mul3A = arith.constant 2 : i32
    %mul3A_0 = arith.muli %arg1, %mul3A : i32
    %add3A = arith.addi %mul3A_0, %arg0 : i32
    "tpu.region"() ({
      %run_scoped3A = tpu.sem_alloc : memref<!tpu.dma_semaphore, #tpu.memory_space<semaphore_mem>>
      %dma_start3A_327 = arith.constant 0 : i32
      %dma_start3A_328 = arith.constant 0 : i32
      %dma_start3A_329 = tpu.memref_slice %arg3[%add3A, %dma_start3A_327, %dma_start3A_328] : memref<32x16x100xi32, #tpu.memory_space<hbm>> -> memref<1x16x100xi32, #tpu.memory_space<hbm>>
      %dma_start3A_330 = tpu.memref_squeeze %dma_start3A_329 : memref<1x16x100xi32, #tpu.memory_space<hbm>> -> memref<16x100xi32, #tpu.memory_space<hbm>>
      %dma_start3A_331 = arith.constant 0 : i32
      %dma_start3A_332 = arith.constant 0 : i32
      %dma_start3A_333 = tpu.memref_slice %arg3[%add3A, %dma_start3A_331, %dma_start3A_332] : memref<32x16x100xi32, #tpu.memory_space<hbm>> -> memref<1x16x100xi32, #tpu.memory_space<hbm>>
      %dma_start3A_334 = tpu.memref_squeeze %dma_start3A_333 : memref<1x16x100xi32, #tpu.memory_space<hbm>> -> memref<16x100xi32, #tpu.memory_space<hbm>>
      tpu.enqueue_dma source(%dma_start3A_334 : memref<16x100xi32, #tpu.memory_space<hbm>>) target(%arg5 : memref<16x100xi32, #tpu.memory_space<vmem>>) target_semaphore(%run_scoped3A : memref<!tpu.dma_semaphore, #tpu.memory_space<semaphore_mem>>)
      %dma_wait3A_335 = arith.constant 0 : i32
      %dma_wait3A_336 = arith.constant 0 : i32
      %dma_wait3A_337 = tpu.memref_slice %arg3[%add3A, %dma_wait3A_335, %dma_wait3A_336] : memref<32x16x100xi32, #tpu.memory_space<hbm>> -> memref<1x16x100xi32, #tpu.memory_space<hbm>>
      %dma_wait3A_338 = tpu.memref_squeeze %dma_wait3A_337 : memref<1x16x100xi32, #tpu.memory_space<hbm>> -> memref<16x100xi32, #tpu.memory_space<hbm>>
      %dma_wait3A_339 = arith.constant 0 : i32
      %dma_wait3A_340 = arith.constant 0 : i32
      %dma_wait3A_341 = tpu.memref_slice %arg3[%add3A, %dma_wait3A_339, %dma_wait3A_340] : memref<32x16x100xi32, #tpu.memory_space<hbm>> -> memref<1x16x100xi32, #tpu.memory_space<hbm>>
      %dma_wait3A_342 = tpu.memref_squeeze %dma_wait3A_341 : memref<1x16x100xi32, #tpu.memory_space<hbm>> -> memref<16x100xi32, #tpu.memory_space<hbm>>
      tpu.wait_dma2 semaphore(%run_scoped3A : memref<!tpu.dma_semaphore, #tpu.memory_space<semaphore_mem>>) src(%dma_wait3A_342 : memref<16x100xi32, #tpu.memory_space<hbm>>) dst(%arg5 : memref<16x100xi32, #tpu.memory_space<vmem>>)
      tpu.yield
    }) : () -> ()
    %dma_start3A = arith.constant 0 : i32
    %dma_start3A_1 = arith.constant 0 : i32
    %dma_start3A_2 = arith.constant 0 : i32
    %dma_start3A_3 = tpu.memref_slice %arg6[%dma_start3A_1, %dma_start3A_2] : memref<1600x32xf32, #tpu.memory_space<vmem>> -> memref<100x32xf32, #tpu.memory_space<vmem>>
    %dma_start3A_4 = arith.constant 0 : i32
    %dma_start3A_5 = tpu.memref_slice %arg5[%dma_start3A, %dma_start3A_4] : memref<16x100xi32, #tpu.memory_space<vmem>> -> memref<1x100xi32, #tpu.memory_space<vmem>>
    %dma_start3A_6 = tpu.memref_squeeze %dma_start3A_5 : memref<1x100xi32, #tpu.memory_space<vmem>> -> memref<100xi32, #tpu.memory_space<vmem>>
    %dma_start3A_7 = arith.constant 0 : i32
    %dma_start3A_8 = arith.constant 0 : i32
    %dma_start3A_9 = tpu.memref_slice %arg2[%dma_start3A_7, %dma_start3A_8] : memref<100000x32xf32, #tpu.memory_space<hbm>> -> memref<100000x32xf32, #tpu.memory_space<hbm>>
    tpu.enqueue_indirect_dma source(%dma_start3A_9 : memref<100000x32xf32, #tpu.memory_space<hbm>>) target(%dma_start3A_3 : memref<100x32xf32, #tpu.memory_space<vmem>>) offsets(%dma_start3A_6 : memref<100xi32, #tpu.memory_space<vmem>>) semaphore(%arg8 : memref<!tpu.dma_semaphore, #tpu.memory_space<semaphore_mem>>)
    %dma_start3A_10 = arith.constant 1 : i32
    %dma_start3A_11 = arith.constant 100 : i32
    %dma_start3A_12 = arith.constant 0 : i32
    %dma_start3A_13 = tpu.memref_slice %arg6[%dma_start3A_11, %dma_start3A_12] : memref<1600x32xf32, #tpu.memory_space<vmem>> -> memref<100x32xf32, #tpu.memory_space<vmem>>
    %dma_start3A_14 = arith.constant 0 : i32
    %dma_start3A_15 = tpu.memref_slice %arg5[%dma_start3A_10, %dma_start3A_14] : memref<16x100xi32, #tpu.memory_space<vmem>> -> memref<1x100xi32, #tpu.memory_space<vmem>>
    %dma_start3A_16 = tpu.memref_squeeze %dma_start3A_15 : memref<1x100xi32, #tpu.memory_space<vmem>> -> memref<100xi32, #tpu.memory_space<vmem>>
    %dma_start3A_17 = arith.constant 0 : i32
    %dma_start3A_18 = arith.constant 0 : i32
    %dma_start3A_19 = tpu.memref_slice %arg2[%dma_start3A_17, %dma_start3A_18] : memref<100000x32xf32, #tpu.memory_space<hbm>> -> memref<100000x32xf32, #tpu.memory_space<hbm>>
    tpu.enqueue_indirect_dma source(%dma_start3A_19 : memref<100000x32xf32, #tpu.memory_space<hbm>>) target(%dma_start3A_13 : memref<100x32xf32, #tpu.memory_space<vmem>>) offsets(%dma_start3A_16 : memref<100xi32, #tpu.memory_space<vmem>>) semaphore(%arg8 : memref<!tpu.dma_semaphore, #tpu.memory_space<semaphore_mem>>)
    %dma_start3A_20 = arith.constant 2 : i32
    %dma_start3A_21 = arith.constant 200 : i32
    %dma_start3A_22 = arith.constant 0 : i32
    %dma_start3A_23 = tpu.memref_slice %arg6[%dma_start3A_21, %dma_start3A_22] : memref<1600x32xf32, #tpu.memory_space<vmem>> -> memref<100x32xf32, #tpu.memory_space<vmem>>
    %dma_start3A_24 = arith.constant 0 : i32
    %dma_start3A_25 = tpu.memref_slice %arg5[%dma_start3A_20, %dma_start3A_24] : memref<16x100xi32, #tpu.memory_space<vmem>> -> memref<1x100xi32, #tpu.memory_space<vmem>>
    %dma_start3A_26 = tpu.memref_squeeze %dma_start3A_25 : memref<1x100xi32, #tpu.memory_space<vmem>> -> memref<100xi32, #tpu.memory_space<vmem>>
    %dma_start3A_27 = arith.constant 0 : i32
    %dma_start3A_28 = arith.constant 0 : i32
    %dma_start3A_29 = tpu.memref_slice %arg2[%dma_start3A_27, %dma_start3A_28] : memref<100000x32xf32, #tpu.memory_space<hbm>> -> memref<100000x32xf32, #tpu.memory_space<hbm>>
    tpu.enqueue_indirect_dma source(%dma_start3A_29 : memref<100000x32xf32, #tpu.memory_space<hbm>>) target(%dma_start3A_23 : memref<100x32xf32, #tpu.memory_space<vmem>>) offsets(%dma_start3A_26 : memref<100xi32, #tpu.memory_space<vmem>>) semaphore(%arg8 : memref<!tpu.dma_semaphore, #tpu.memory_space<semaphore_mem>>)
    %dma_start3A_30 = arith.constant 3 : i32
    %dma_start3A_31 = arith.constant 300 : i32
    %dma_start3A_32 = arith.constant 0 : i32
    %dma_start3A_33 = tpu.memref_slice %arg6[%dma_start3A_31, %dma_start3A_32] : memref<1600x32xf32, #tpu.memory_space<vmem>> -> memref<100x32xf32, #tpu.memory_space<vmem>>
    %dma_start3A_34 = arith.constant 0 : i32
    %dma_start3A_35 = tpu.memref_slice %arg5[%dma_start3A_30, %dma_start3A_34] : memref<16x100xi32, #tpu.memory_space<vmem>> -> memref<1x100xi32, #tpu.memory_space<vmem>>
    %dma_start3A_36 = tpu.memref_squeeze %dma_start3A_35 : memref<1x100xi32, #tpu.memory_space<vmem>> -> memref<100xi32, #tpu.memory_space<vmem>>
    %dma_start3A_37 = arith.constant 0 : i32
    %dma_start3A_38 = arith.constant 0 : i32
    %dma_start3A_39 = tpu.memref_slice %arg2[%dma_start3A_37, %dma_start3A_38] : memref<100000x32xf32, #tpu.memory_space<hbm>> -> memref<100000x32xf32, #tpu.memory_space<hbm>>
    tpu.enqueue_indirect_dma source(%dma_start3A_39 : memref<100000x32xf32, #tpu.memory_space<hbm>>) target(%dma_start3A_33 : memref<100x32xf32, #tpu.memory_space<vmem>>) offsets(%dma_start3A_36 : memref<100xi32, #tpu.memory_space<vmem>>) semaphore(%arg8 : memref<!tpu.dma_semaphore, #tpu.memory_space<semaphore_mem>>)
    %dma_start3A_40 = arith.constant 4 : i32
    %dma_start3A_41 = arith.constant 400 : i32
    %dma_start3A_42 = arith.constant 0 : i32
    %dma_start3A_43 = tpu.memref_slice %arg6[%dma_start3A_41, %dma_start3A_42] : memref<1600x32xf32, #tpu.memory_space<vmem>> -> memref<100x32xf32, #tpu.memory_space<vmem>>
    %dma_start3A_44 = arith.constant 0 : i32
    %dma_start3A_45 = tpu.memref_slice %arg5[%dma_start3A_40, %dma_start3A_44] : memref<16x100xi32, #tpu.memory_space<vmem>> -> memref<1x100xi32, #tpu.memory_space<vmem>>
    %dma_start3A_46 = tpu.memref_squeeze %dma_start3A_45 : memref<1x100xi32, #tpu.memory_space<vmem>> -> memref<100xi32, #tpu.memory_space<vmem>>
    %dma_start3A_47 = arith.constant 0 : i32
    %dma_start3A_48 = arith.constant 0 : i32
    %dma_start3A_49 = tpu.memref_slice %arg2[%dma_start3A_47, %dma_start3A_48] : memref<100000x32xf32, #tpu.memory_space<hbm>> -> memref<100000x32xf32, #tpu.memory_space<hbm>>
    tpu.enqueue_indirect_dma source(%dma_start3A_49 : memref<100000x32xf32, #tpu.memory_space<hbm>>) target(%dma_start3A_43 : memref<100x32xf32, #tpu.memory_space<vmem>>) offsets(%dma_start3A_46 : memref<100xi32, #tpu.memory_space<vmem>>) semaphore(%arg8 : memref<!tpu.dma_semaphore, #tpu.memory_space<semaphore_mem>>)
    %dma_start3A_50 = arith.constant 5 : i32
    %dma_start3A_51 = arith.constant 500 : i32
    %dma_start3A_52 = arith.constant 0 : i32
    %dma_start3A_53 = tpu.memref_slice %arg6[%dma_start3A_51, %dma_start3A_52] : memref<1600x32xf32, #tpu.memory_space<vmem>> -> memref<100x32xf32, #tpu.memory_space<vmem>>
    %dma_start3A_54 = arith.constant 0 : i32
    %dma_start3A_55 = tpu.memref_slice %arg5[%dma_start3A_50, %dma_start3A_54] : memref<16x100xi32, #tpu.memory_space<vmem>> -> memref<1x100xi32, #tpu.memory_space<vmem>>
    %dma_start3A_56 = tpu.memref_squeeze %dma_start3A_55 : memref<1x100xi32, #tpu.memory_space<vmem>> -> memref<100xi32, #tpu.memory_space<vmem>>
    %dma_start3A_57 = arith.constant 0 : i32
    %dma_start3A_58 = arith.constant 0 : i32
    %dma_start3A_59 = tpu.memref_slice %arg2[%dma_start3A_57, %dma_start3A_58] : memref<100000x32xf32, #tpu.memory_space<hbm>> -> memref<100000x32xf32, #tpu.memory_space<hbm>>
    tpu.enqueue_indirect_dma source(%dma_start3A_59 : memref<100000x32xf32, #tpu.memory_space<hbm>>) target(%dma_start3A_53 : memref<100x32xf32, #tpu.memory_space<vmem>>) offsets(%dma_start3A_56 : memref<100xi32, #tpu.memory_space<vmem>>) semaphore(%arg8 : memref<!tpu.dma_semaphore, #tpu.memory_space<semaphore_mem>>)
    %dma_start3A_60 = arith.constant 6 : i32
    %dma_start3A_61 = arith.constant 600 : i32
    %dma_start3A_62 = arith.constant 0 : i32
    %dma_start3A_63 = tpu.memref_slice %arg6[%dma_start3A_61, %dma_start3A_62] : memref<1600x32xf32, #tpu.memory_space<vmem>> -> memref<100x32xf32, #tpu.memory_space<vmem>>
    %dma_start3A_64 = arith.constant 0 : i32
    %dma_start3A_65 = tpu.memref_slice %arg5[%dma_start3A_60, %dma_start3A_64] : memref<16x100xi32, #tpu.memory_space<vmem>> -> memref<1x100xi32, #tpu.memory_space<vmem>>
    %dma_start3A_66 = tpu.memref_squeeze %dma_start3A_65 : memref<1x100xi32, #tpu.memory_space<vmem>> -> memref<100xi32, #tpu.memory_space<vmem>>
    %dma_start3A_67 = arith.constant 0 : i32
    %dma_start3A_68 = arith.constant 0 : i32
    %dma_start3A_69 = tpu.memref_slice %arg2[%dma_start3A_67, %dma_start3A_68] : memref<100000x32xf32, #tpu.memory_space<hbm>> -> memref<100000x32xf32, #tpu.memory_space<hbm>>
    tpu.enqueue_indirect_dma source(%dma_start3A_69 : memref<100000x32xf32, #tpu.memory_space<hbm>>) target(%dma_start3A_63 : memref<100x32xf32, #tpu.memory_space<vmem>>) offsets(%dma_start3A_66 : memref<100xi32, #tpu.memory_space<vmem>>) semaphore(%arg8 : memref<!tpu.dma_semaphore, #tpu.memory_space<semaphore_mem>>)
    %dma_start3A_70 = arith.constant 7 : i32
    %dma_start3A_71 = arith.constant 700 : i32
    %dma_start3A_72 = arith.constant 0 : i32
    %dma_start3A_73 = tpu.memref_slice %arg6[%dma_start3A_71, %dma_start3A_72] : memref<1600x32xf32, #tpu.memory_space<vmem>> -> memref<100x32xf32, #tpu.memory_space<vmem>>
    %dma_start3A_74 = arith.constant 0 : i32
    %dma_start3A_75 = tpu.memref_slice %arg5[%dma_start3A_70, %dma_start3A_74] : memref<16x100xi32, #tpu.memory_space<vmem>> -> memref<1x100xi32, #tpu.memory_space<vmem>>
    %dma_start3A_76 = tpu.memref_squeeze %dma_start3A_75 : memref<1x100xi32, #tpu.memory_space<vmem>> -> memref<100xi32, #tpu.memory_space<vmem>>
    %dma_start3A_77 = arith.constant 0 : i32
    %dma_start3A_78 = arith.constant 0 : i32
    %dma_start3A_79 = tpu.memref_slice %arg2[%dma_start3A_77, %dma_start3A_78] : memref<100000x32xf32, #tpu.memory_space<hbm>> -> memref<100000x32xf32, #tpu.memory_space<hbm>>
    tpu.enqueue_indirect_dma source(%dma_start3A_79 : memref<100000x32xf32, #tpu.memory_space<hbm>>) target(%dma_start3A_73 : memref<100x32xf32, #tpu.memory_space<vmem>>) offsets(%dma_start3A_76 : memref<100xi32, #tpu.memory_space<vmem>>) semaphore(%arg8 : memref<!tpu.dma_semaphore, #tpu.memory_space<semaphore_mem>>)
    %dma_start3A_80 = arith.constant 8 : i32
    %dma_start3A_81 = arith.constant 800 : i32
    %dma_start3A_82 = arith.constant 0 : i32
    %dma_start3A_83 = tpu.memref_slice %arg6[%dma_start3A_81, %dma_start3A_82] : memref<1600x32xf32, #tpu.memory_space<vmem>> -> memref<100x32xf32, #tpu.memory_space<vmem>>
    %dma_start3A_84 = arith.constant 0 : i32
    %dma_start3A_85 = tpu.memref_slice %arg5[%dma_start3A_80, %dma_start3A_84] : memref<16x100xi32, #tpu.memory_space<vmem>> -> memref<1x100xi32, #tpu.memory_space<vmem>>
    %dma_start3A_86 = tpu.memref_squeeze %dma_start3A_85 : memref<1x100xi32, #tpu.memory_space<vmem>> -> memref<100xi32, #tpu.memory_space<vmem>>
    %dma_start3A_87 = arith.constant 0 : i32
    %dma_start3A_88 = arith.constant 0 : i32
    %dma_start3A_89 = tpu.memref_slice %arg2[%dma_start3A_87, %dma_start3A_88] : memref<100000x32xf32, #tpu.memory_space<hbm>> -> memref<100000x32xf32, #tpu.memory_space<hbm>>
    tpu.enqueue_indirect_dma source(%dma_start3A_89 : memref<100000x32xf32, #tpu.memory_space<hbm>>) target(%dma_start3A_83 : memref<100x32xf32, #tpu.memory_space<vmem>>) offsets(%dma_start3A_86 : memref<100xi32, #tpu.memory_space<vmem>>) semaphore(%arg8 : memref<!tpu.dma_semaphore, #tpu.memory_space<semaphore_mem>>)
    %dma_start3A_90 = arith.constant 9 : i32
    %dma_start3A_91 = arith.constant 900 : i32
    %dma_start3A_92 = arith.constant 0 : i32
    %dma_start3A_93 = tpu.memref_slice %arg6[%dma_start3A_91, %dma_start3A_92] : memref<1600x32xf32, #tpu.memory_space<vmem>> -> memref<100x32xf32, #tpu.memory_space<vmem>>
    %dma_start3A_94 = arith.constant 0 : i32
    %dma_start3A_95 = tpu.memref_slice %arg5[%dma_start3A_90, %dma_start3A_94] : memref<16x100xi32, #tpu.memory_space<vmem>> -> memref<1x100xi32, #tpu.memory_space<vmem>>
    %dma_start3A_96 = tpu.memref_squeeze %dma_start3A_95 : memref<1x100xi32, #tpu.memory_space<vmem>> -> memref<100xi32, #tpu.memory_space<vmem>>
    %dma_start3A_97 = arith.constant 0 : i32
    %dma_start3A_98 = arith.constant 0 : i32
    %dma_start3A_99 = tpu.memref_slice %arg2[%dma_start3A_97, %dma_start3A_98] : memref<100000x32xf32, #tpu.memory_space<hbm>> -> memref<100000x32xf32, #tpu.memory_space<hbm>>
    tpu.enqueue_indirect_dma source(%dma_start3A_99 : memref<100000x32xf32, #tpu.memory_space<hbm>>) target(%dma_start3A_93 : memref<100x32xf32, #tpu.memory_space<vmem>>) offsets(%dma_start3A_96 : memref<100xi32, #tpu.memory_space<vmem>>) semaphore(%arg8 : memref<!tpu.dma_semaphore, #tpu.memory_space<semaphore_mem>>)
    %dma_start3A_100 = arith.constant 10 : i32
    %dma_start3A_101 = arith.constant 1000 : i32
    %dma_start3A_102 = arith.constant 0 : i32
    %dma_start3A_103 = tpu.memref_slice %arg6[%dma_start3A_101, %dma_start3A_102] : memref<1600x32xf32, #tpu.memory_space<vmem>> -> memref<100x32xf32, #tpu.memory_space<vmem>>
    %dma_start3A_104 = arith.constant 0 : i32
    %dma_start3A_105 = tpu.memref_slice %arg5[%dma_start3A_100, %dma_start3A_104] : memref<16x100xi32, #tpu.memory_space<vmem>> -> memref<1x100xi32, #tpu.memory_space<vmem>>
    %dma_start3A_106 = tpu.memref_squeeze %dma_start3A_105 : memref<1x100xi32, #tpu.memory_space<vmem>> -> memref<100xi32, #tpu.memory_space<vmem>>
    %dma_start3A_107 = arith.constant 0 : i32
    %dma_start3A_108 = arith.constant 0 : i32
    %dma_start3A_109 = tpu.memref_slice %arg2[%dma_start3A_107, %dma_start3A_108] : memref<100000x32xf32, #tpu.memory_space<hbm>> -> memref<100000x32xf32, #tpu.memory_space<hbm>>
    tpu.enqueue_indirect_dma source(%dma_start3A_109 : memref<100000x32xf32, #tpu.memory_space<hbm>>) target(%dma_start3A_103 : memref<100x32xf32, #tpu.memory_space<vmem>>) offsets(%dma_start3A_106 : memref<100xi32, #tpu.memory_space<vmem>>) semaphore(%arg8 : memref<!tpu.dma_semaphore, #tpu.memory_space<semaphore_mem>>)
    %dma_start3A_110 = arith.constant 11 : i32
    %dma_start3A_111 = arith.constant 1100 : i32
    %dma_start3A_112 = arith.constant 0 : i32
    %dma_start3A_113 = tpu.memref_slice %arg6[%dma_start3A_111, %dma_start3A_112] : memref<1600x32xf32, #tpu.memory_space<vmem>> -> memref<100x32xf32, #tpu.memory_space<vmem>>
    %dma_start3A_114 = arith.constant 0 : i32
    %dma_start3A_115 = tpu.memref_slice %arg5[%dma_start3A_110, %dma_start3A_114] : memref<16x100xi32, #tpu.memory_space<vmem>> -> memref<1x100xi32, #tpu.memory_space<vmem>>
    %dma_start3A_116 = tpu.memref_squeeze %dma_start3A_115 : memref<1x100xi32, #tpu.memory_space<vmem>> -> memref<100xi32, #tpu.memory_space<vmem>>
    %dma_start3A_117 = arith.constant 0 : i32
    %dma_start3A_118 = arith.constant 0 : i32
    %dma_start3A_119 = tpu.memref_slice %arg2[%dma_start3A_117, %dma_start3A_118] : memref<100000x32xf32, #tpu.memory_space<hbm>> -> memref<100000x32xf32, #tpu.memory_space<hbm>>
    tpu.enqueue_indirect_dma source(%dma_start3A_119 : memref<100000x32xf32, #tpu.memory_space<hbm>>) target(%dma_start3A_113 : memref<100x32xf32, #tpu.memory_space<vmem>>) offsets(%dma_start3A_116 : memref<100xi32, #tpu.memory_space<vmem>>) semaphore(%arg8 : memref<!tpu.dma_semaphore, #tpu.memory_space<semaphore_mem>>)
    %dma_start3A_120 = arith.constant 12 : i32
    %dma_start3A_121 = arith.constant 1200 : i32
    %dma_start3A_122 = arith.constant 0 : i32
    %dma_start3A_123 = tpu.memref_slice %arg6[%dma_start3A_121, %dma_start3A_122] : memref<1600x32xf32, #tpu.memory_space<vmem>> -> memref<100x32xf32, #tpu.memory_space<vmem>>
    %dma_start3A_124 = arith.constant 0 : i32
    %dma_start3A_125 = tpu.memref_slice %arg5[%dma_start3A_120, %dma_start3A_124] : memref<16x100xi32, #tpu.memory_space<vmem>> -> memref<1x100xi32, #tpu.memory_space<vmem>>
    %dma_start3A_126 = tpu.memref_squeeze %dma_start3A_125 : memref<1x100xi32, #tpu.memory_space<vmem>> -> memref<100xi32, #tpu.memory_space<vmem>>
    %dma_start3A_127 = arith.constant 0 : i32
    %dma_start3A_128 = arith.constant 0 : i32
    %dma_start3A_129 = tpu.memref_slice %arg2[%dma_start3A_127, %dma_start3A_128] : memref<100000x32xf32, #tpu.memory_space<hbm>> -> memref<100000x32xf32, #tpu.memory_space<hbm>>
    tpu.enqueue_indirect_dma source(%dma_start3A_129 : memref<100000x32xf32, #tpu.memory_space<hbm>>) target(%dma_start3A_123 : memref<100x32xf32, #tpu.memory_space<vmem>>) offsets(%dma_start3A_126 : memref<100xi32, #tpu.memory_space<vmem>>) semaphore(%arg8 : memref<!tpu.dma_semaphore, #tpu.memory_space<semaphore_mem>>)
    %dma_start3A_130 = arith.constant 13 : i32
    %dma_start3A_131 = arith.constant 1300 : i32
    %dma_start3A_132 = arith.constant 0 : i32
    %dma_start3A_133 = tpu.memref_slice %arg6[%dma_start3A_131, %dma_start3A_132] : memref<1600x32xf32, #tpu.memory_space<vmem>> -> memref<100x32xf32, #tpu.memory_space<vmem>>
    %dma_start3A_134 = arith.constant 0 : i32
    %dma_start3A_135 = tpu.memref_slice %arg5[%dma_start3A_130, %dma_start3A_134] : memref<16x100xi32, #tpu.memory_space<vmem>> -> memref<1x100xi32, #tpu.memory_space<vmem>>
    %dma_start3A_136 = tpu.memref_squeeze %dma_start3A_135 : memref<1x100xi32, #tpu.memory_space<vmem>> -> memref<100xi32, #tpu.memory_space<vmem>>
    %dma_start3A_137 = arith.constant 0 : i32
    %dma_start3A_138 = arith.constant 0 : i32
    %dma_start3A_139 = tpu.memref_slice %arg2[%dma_start3A_137, %dma_start3A_138] : memref<100000x32xf32, #tpu.memory_space<hbm>> -> memref<100000x32xf32, #tpu.memory_space<hbm>>
    tpu.enqueue_indirect_dma source(%dma_start3A_139 : memref<100000x32xf32, #tpu.memory_space<hbm>>) target(%dma_start3A_133 : memref<100x32xf32, #tpu.memory_space<vmem>>) offsets(%dma_start3A_136 : memref<100xi32, #tpu.memory_space<vmem>>) semaphore(%arg8 : memref<!tpu.dma_semaphore, #tpu.memory_space<semaphore_mem>>)
    %dma_start3A_140 = arith.constant 14 : i32
    %dma_start3A_141 = arith.constant 1400 : i32
    %dma_start3A_142 = arith.constant 0 : i32
    %dma_start3A_143 = tpu.memref_slice %arg6[%dma_start3A_141, %dma_start3A_142] : memref<1600x32xf32, #tpu.memory_space<vmem>> -> memref<100x32xf32, #tpu.memory_space<vmem>>
    %dma_start3A_144 = arith.constant 0 : i32
    %dma_start3A_145 = tpu.memref_slice %arg5[%dma_start3A_140, %dma_start3A_144] : memref<16x100xi32, #tpu.memory_space<vmem>> -> memref<1x100xi32, #tpu.memory_space<vmem>>
    %dma_start3A_146 = tpu.memref_squeeze %dma_start3A_145 : memref<1x100xi32, #tpu.memory_space<vmem>> -> memref<100xi32, #tpu.memory_space<vmem>>
    %dma_start3A_147 = arith.constant 0 : i32
    %dma_start3A_148 = arith.constant 0 : i32
    %dma_start3A_149 = tpu.memref_slice %arg2[%dma_start3A_147, %dma_start3A_148] : memref<100000x32xf32, #tpu.memory_space<hbm>> -> memref<100000x32xf32, #tpu.memory_space<hbm>>
    tpu.enqueue_indirect_dma source(%dma_start3A_149 : memref<100000x32xf32, #tpu.memory_space<hbm>>) target(%dma_start3A_143 : memref<100x32xf32, #tpu.memory_space<vmem>>) offsets(%dma_start3A_146 : memref<100xi32, #tpu.memory_space<vmem>>) semaphore(%arg8 : memref<!tpu.dma_semaphore, #tpu.memory_space<semaphore_mem>>)
    %dma_start3A_150 = arith.constant 15 : i32
    %dma_start3A_151 = arith.constant 1500 : i32
    %dma_start3A_152 = arith.constant 0 : i32
    %dma_start3A_153 = tpu.memref_slice %arg6[%dma_start3A_151, %dma_start3A_152] : memref<1600x32xf32, #tpu.memory_space<vmem>> -> memref<100x32xf32, #tpu.memory_space<vmem>>
    %dma_start3A_154 = arith.constant 0 : i32
    %dma_start3A_155 = tpu.memref_slice %arg5[%dma_start3A_150, %dma_start3A_154] : memref<16x100xi32, #tpu.memory_space<vmem>> -> memref<1x100xi32, #tpu.memory_space<vmem>>
    %dma_start3A_156 = tpu.memref_squeeze %dma_start3A_155 : memref<1x100xi32, #tpu.memory_space<vmem>> -> memref<100xi32, #tpu.memory_space<vmem>>
    %dma_start3A_157 = arith.constant 0 : i32
    %dma_start3A_158 = arith.constant 0 : i32
    %dma_start3A_159 = tpu.memref_slice %arg2[%dma_start3A_157, %dma_start3A_158] : memref<100000x32xf32, #tpu.memory_space<hbm>> -> memref<100000x32xf32, #tpu.memory_space<hbm>>
    tpu.enqueue_indirect_dma source(%dma_start3A_159 : memref<100000x32xf32, #tpu.memory_space<hbm>>) target(%dma_start3A_153 : memref<100x32xf32, #tpu.memory_space<vmem>>) offsets(%dma_start3A_156 : memref<100xi32, #tpu.memory_space<vmem>>) semaphore(%arg8 : memref<!tpu.dma_semaphore, #tpu.memory_space<semaphore_mem>>)
    %dma_wait3A = arith.constant 0 : i32
    %dma_wait3A_160 = arith.constant 0 : i32
    %dma_wait3A_161 = arith.constant 0 : i32
    %dma_wait3A_162 = tpu.memref_slice %arg6[%dma_wait3A_160, %dma_wait3A_161] : memref<1600x32xf32, #tpu.memory_space<vmem>> -> memref<100x32xf32, #tpu.memory_space<vmem>>
    %dma_wait3A_163 = arith.constant 0 : i32
    %dma_wait3A_164 = tpu.memref_slice %arg5[%dma_wait3A, %dma_wait3A_163] : memref<16x100xi32, #tpu.memory_space<vmem>> -> memref<1x100xi32, #tpu.memory_space<vmem>>
    %dma_wait3A_165 = tpu.memref_squeeze %dma_wait3A_164 : memref<1x100xi32, #tpu.memory_space<vmem>> -> memref<100xi32, #tpu.memory_space<vmem>>
    %dma_wait3A_166 = arith.constant 0 : i32
    %dma_wait3A_167 = arith.constant 0 : i32
    %dma_wait3A_168 = tpu.memref_slice %arg2[%dma_wait3A_166, %dma_wait3A_167] : memref<100000x32xf32, #tpu.memory_space<hbm>> -> memref<100000x32xf32, #tpu.memory_space<hbm>>
    tpu.wait_indirect_dma semaphore(%arg8 : memref<!tpu.dma_semaphore, #tpu.memory_space<semaphore_mem>>) src(%dma_wait3A_168 : memref<100000x32xf32, #tpu.memory_space<hbm>>) dst(%dma_wait3A_162 : memref<100x32xf32, #tpu.memory_space<vmem>>)
    %dma_wait3A_169 = arith.constant 1 : i32
    %dma_wait3A_170 = arith.constant 100 : i32
    %dma_wait3A_171 = arith.constant 0 : i32
    %dma_wait3A_172 = tpu.memref_slice %arg6[%dma_wait3A_170, %dma_wait3A_171] : memref<1600x32xf32, #tpu.memory_space<vmem>> -> memref<100x32xf32, #tpu.memory_space<vmem>>
    %dma_wait3A_173 = arith.constant 0 : i32
    %dma_wait3A_174 = tpu.memref_slice %arg5[%dma_wait3A_169, %dma_wait3A_173] : memref<16x100xi32, #tpu.memory_space<vmem>> -> memref<1x100xi32, #tpu.memory_space<vmem>>
    %dma_wait3A_175 = tpu.memref_squeeze %dma_wait3A_174 : memref<1x100xi32, #tpu.memory_space<vmem>> -> memref<100xi32, #tpu.memory_space<vmem>>
    %dma_wait3A_176 = arith.constant 0 : i32
    %dma_wait3A_177 = arith.constant 0 : i32
    %dma_wait3A_178 = tpu.memref_slice %arg2[%dma_wait3A_176, %dma_wait3A_177] : memref<100000x32xf32, #tpu.memory_space<hbm>> -> memref<100000x32xf32, #tpu.memory_space<hbm>>
    tpu.wait_indirect_dma semaphore(%arg8 : memref<!tpu.dma_semaphore, #tpu.memory_space<semaphore_mem>>) src(%dma_wait3A_178 : memref<100000x32xf32, #tpu.memory_space<hbm>>) dst(%dma_wait3A_172 : memref<100x32xf32, #tpu.memory_space<vmem>>)
    %dma_wait3A_179 = arith.constant 2 : i32
    %dma_wait3A_180 = arith.constant 200 : i32
    %dma_wait3A_181 = arith.constant 0 : i32
    %dma_wait3A_182 = tpu.memref_slice %arg6[%dma_wait3A_180, %dma_wait3A_181] : memref<1600x32xf32, #tpu.memory_space<vmem>> -> memref<100x32xf32, #tpu.memory_space<vmem>>
    %dma_wait3A_183 = arith.constant 0 : i32
    %dma_wait3A_184 = tpu.memref_slice %arg5[%dma_wait3A_179, %dma_wait3A_183] : memref<16x100xi32, #tpu.memory_space<vmem>> -> memref<1x100xi32, #tpu.memory_space<vmem>>
    %dma_wait3A_185 = tpu.memref_squeeze %dma_wait3A_184 : memref<1x100xi32, #tpu.memory_space<vmem>> -> memref<100xi32, #tpu.memory_space<vmem>>
    %dma_wait3A_186 = arith.constant 0 : i32
    %dma_wait3A_187 = arith.constant 0 : i32
    %dma_wait3A_188 = tpu.memref_slice %arg2[%dma_wait3A_186, %dma_wait3A_187] : memref<100000x32xf32, #tpu.memory_space<hbm>> -> memref<100000x32xf32, #tpu.memory_space<hbm>>
    tpu.wait_indirect_dma semaphore(%arg8 : memref<!tpu.dma_semaphore, #tpu.memory_space<semaphore_mem>>) src(%dma_wait3A_188 : memref<100000x32xf32, #tpu.memory_space<hbm>>) dst(%dma_wait3A_182 : memref<100x32xf32, #tpu.memory_space<vmem>>)
    %dma_wait3A_189 = arith.constant 3 : i32
    %dma_wait3A_190 = arith.constant 300 : i32
    %dma_wait3A_191 = arith.constant 0 : i32
    %dma_wait3A_192 = tpu.memref_slice %arg6[%dma_wait3A_190, %dma_wait3A_191] : memref<1600x32xf32, #tpu.memory_space<vmem>> -> memref<100x32xf32, #tpu.memory_space<vmem>>
    %dma_wait3A_193 = arith.constant 0 : i32
    %dma_wait3A_194 = tpu.memref_slice %arg5[%dma_wait3A_189, %dma_wait3A_193] : memref<16x100xi32, #tpu.memory_space<vmem>> -> memref<1x100xi32, #tpu.memory_space<vmem>>
    %dma_wait3A_195 = tpu.memref_squeeze %dma_wait3A_194 : memref<1x100xi32, #tpu.memory_space<vmem>> -> memref<100xi32, #tpu.memory_space<vmem>>
    %dma_wait3A_196 = arith.constant 0 : i32
    %dma_wait3A_197 = arith.constant 0 : i32
    %dma_wait3A_198 = tpu.memref_slice %arg2[%dma_wait3A_196, %dma_wait3A_197] : memref<100000x32xf32, #tpu.memory_space<hbm>> -> memref<100000x32xf32, #tpu.memory_space<hbm>>
    tpu.wait_indirect_dma semaphore(%arg8 : memref<!tpu.dma_semaphore, #tpu.memory_space<semaphore_mem>>) src(%dma_wait3A_198 : memref<100000x32xf32, #tpu.memory_space<hbm>>) dst(%dma_wait3A_192 : memref<100x32xf32, #tpu.memory_space<vmem>>)
    %dma_wait3A_199 = arith.constant 4 : i32
    %dma_wait3A_200 = arith.constant 400 : i32
    %dma_wait3A_201 = arith.constant 0 : i32
    %dma_wait3A_202 = tpu.memref_slice %arg6[%dma_wait3A_200, %dma_wait3A_201] : memref<1600x32xf32, #tpu.memory_space<vmem>> -> memref<100x32xf32, #tpu.memory_space<vmem>>
    %dma_wait3A_203 = arith.constant 0 : i32
    %dma_wait3A_204 = tpu.memref_slice %arg5[%dma_wait3A_199, %dma_wait3A_203] : memref<16x100xi32, #tpu.memory_space<vmem>> -> memref<1x100xi32, #tpu.memory_space<vmem>>
    %dma_wait3A_205 = tpu.memref_squeeze %dma_wait3A_204 : memref<1x100xi32, #tpu.memory_space<vmem>> -> memref<100xi32, #tpu.memory_space<vmem>>
    %dma_wait3A_206 = arith.constant 0 : i32
    %dma_wait3A_207 = arith.constant 0 : i32
    %dma_wait3A_208 = tpu.memref_slice %arg2[%dma_wait3A_206, %dma_wait3A_207] : memref<100000x32xf32, #tpu.memory_space<hbm>> -> memref<100000x32xf32, #tpu.memory_space<hbm>>
    tpu.wait_indirect_dma semaphore(%arg8 : memref<!tpu.dma_semaphore, #tpu.memory_space<semaphore_mem>>) src(%dma_wait3A_208 : memref<100000x32xf32, #tpu.memory_space<hbm>>) dst(%dma_wait3A_202 : memref<100x32xf32, #tpu.memory_space<vmem>>)
    %dma_wait3A_209 = arith.constant 5 : i32
    %dma_wait3A_210 = arith.constant 500 : i32
    %dma_wait3A_211 = arith.constant 0 : i32
    %dma_wait3A_212 = tpu.memref_slice %arg6[%dma_wait3A_210, %dma_wait3A_211] : memref<1600x32xf32, #tpu.memory_space<vmem>> -> memref<100x32xf32, #tpu.memory_space<vmem>>
    %dma_wait3A_213 = arith.constant 0 : i32
    %dma_wait3A_214 = tpu.memref_slice %arg5[%dma_wait3A_209, %dma_wait3A_213] : memref<16x100xi32, #tpu.memory_space<vmem>> -> memref<1x100xi32, #tpu.memory_space<vmem>>
    %dma_wait3A_215 = tpu.memref_squeeze %dma_wait3A_214 : memref<1x100xi32, #tpu.memory_space<vmem>> -> memref<100xi32, #tpu.memory_space<vmem>>
    %dma_wait3A_216 = arith.constant 0 : i32
    %dma_wait3A_217 = arith.constant 0 : i32
    %dma_wait3A_218 = tpu.memref_slice %arg2[%dma_wait3A_216, %dma_wait3A_217] : memref<100000x32xf32, #tpu.memory_space<hbm>> -> memref<100000x32xf32, #tpu.memory_space<hbm>>
    tpu.wait_indirect_dma semaphore(%arg8 : memref<!tpu.dma_semaphore, #tpu.memory_space<semaphore_mem>>) src(%dma_wait3A_218 : memref<100000x32xf32, #tpu.memory_space<hbm>>) dst(%dma_wait3A_212 : memref<100x32xf32, #tpu.memory_space<vmem>>)
    %dma_wait3A_219 = arith.constant 6 : i32
    %dma_wait3A_220 = arith.constant 600 : i32
    %dma_wait3A_221 = arith.constant 0 : i32
    %dma_wait3A_222 = tpu.memref_slice %arg6[%dma_wait3A_220, %dma_wait3A_221] : memref<1600x32xf32, #tpu.memory_space<vmem>> -> memref<100x32xf32, #tpu.memory_space<vmem>>
    %dma_wait3A_223 = arith.constant 0 : i32
    %dma_wait3A_224 = tpu.memref_slice %arg5[%dma_wait3A_219, %dma_wait3A_223] : memref<16x100xi32, #tpu.memory_space<vmem>> -> memref<1x100xi32, #tpu.memory_space<vmem>>
    %dma_wait3A_225 = tpu.memref_squeeze %dma_wait3A_224 : memref<1x100xi32, #tpu.memory_space<vmem>> -> memref<100xi32, #tpu.memory_space<vmem>>
    %dma_wait3A_226 = arith.constant 0 : i32
    %dma_wait3A_227 = arith.constant 0 : i32
    %dma_wait3A_228 = tpu.memref_slice %arg2[%dma_wait3A_226, %dma_wait3A_227] : memref<100000x32xf32, #tpu.memory_space<hbm>> -> memref<100000x32xf32, #tpu.memory_space<hbm>>
    tpu.wait_indirect_dma semaphore(%arg8 : memref<!tpu.dma_semaphore, #tpu.memory_space<semaphore_mem>>) src(%dma_wait3A_228 : memref<100000x32xf32, #tpu.memory_space<hbm>>) dst(%dma_wait3A_222 : memref<100x32xf32, #tpu.memory_space<vmem>>)
    %dma_wait3A_229 = arith.constant 7 : i32
    %dma_wait3A_230 = arith.constant 700 : i32
    %dma_wait3A_231 = arith.constant 0 : i32
    %dma_wait3A_232 = tpu.memref_slice %arg6[%dma_wait3A_230, %dma_wait3A_231] : memref<1600x32xf32, #tpu.memory_space<vmem>> -> memref<100x32xf32, #tpu.memory_space<vmem>>
    %dma_wait3A_233 = arith.constant 0 : i32
    %dma_wait3A_234 = tpu.memref_slice %arg5[%dma_wait3A_229, %dma_wait3A_233] : memref<16x100xi32, #tpu.memory_space<vmem>> -> memref<1x100xi32, #tpu.memory_space<vmem>>
    %dma_wait3A_235 = tpu.memref_squeeze %dma_wait3A_234 : memref<1x100xi32, #tpu.memory_space<vmem>> -> memref<100xi32, #tpu.memory_space<vmem>>
    %dma_wait3A_236 = arith.constant 0 : i32
    %dma_wait3A_237 = arith.constant 0 : i32
    %dma_wait3A_238 = tpu.memref_slice %arg2[%dma_wait3A_236, %dma_wait3A_237] : memref<100000x32xf32, #tpu.memory_space<hbm>> -> memref<100000x32xf32, #tpu.memory_space<hbm>>
    tpu.wait_indirect_dma semaphore(%arg8 : memref<!tpu.dma_semaphore, #tpu.memory_space<semaphore_mem>>) src(%dma_wait3A_238 : memref<100000x32xf32, #tpu.memory_space<hbm>>) dst(%dma_wait3A_232 : memref<100x32xf32, #tpu.memory_space<vmem>>)
    %dma_wait3A_239 = arith.constant 8 : i32
    %dma_wait3A_240 = arith.constant 800 : i32
    %dma_wait3A_241 = arith.constant 0 : i32
    %dma_wait3A_242 = tpu.memref_slice %arg6[%dma_wait3A_240, %dma_wait3A_241] : memref<1600x32xf32, #tpu.memory_space<vmem>> -> memref<100x32xf32, #tpu.memory_space<vmem>>
    %dma_wait3A_243 = arith.constant 0 : i32
    %dma_wait3A_244 = tpu.memref_slice %arg5[%dma_wait3A_239, %dma_wait3A_243] : memref<16x100xi32, #tpu.memory_space<vmem>> -> memref<1x100xi32, #tpu.memory_space<vmem>>
    %dma_wait3A_245 = tpu.memref_squeeze %dma_wait3A_244 : memref<1x100xi32, #tpu.memory_space<vmem>> -> memref<100xi32, #tpu.memory_space<vmem>>
    %dma_wait3A_246 = arith.constant 0 : i32
    %dma_wait3A_247 = arith.constant 0 : i32
    %dma_wait3A_248 = tpu.memref_slice %arg2[%dma_wait3A_246, %dma_wait3A_247] : memref<100000x32xf32, #tpu.memory_space<hbm>> -> memref<100000x32xf32, #tpu.memory_space<hbm>>
    tpu.wait_indirect_dma semaphore(%arg8 : memref<!tpu.dma_semaphore, #tpu.memory_space<semaphore_mem>>) src(%dma_wait3A_248 : memref<100000x32xf32, #tpu.memory_space<hbm>>) dst(%dma_wait3A_242 : memref<100x32xf32, #tpu.memory_space<vmem>>)
    %dma_wait3A_249 = arith.constant 9 : i32
    %dma_wait3A_250 = arith.constant 900 : i32
    %dma_wait3A_251 = arith.constant 0 : i32
    %dma_wait3A_252 = tpu.memref_slice %arg6[%dma_wait3A_250, %dma_wait3A_251] : memref<1600x32xf32, #tpu.memory_space<vmem>> -> memref<100x32xf32, #tpu.memory_space<vmem>>
    %dma_wait3A_253 = arith.constant 0 : i32
    %dma_wait3A_254 = tpu.memref_slice %arg5[%dma_wait3A_249, %dma_wait3A_253] : memref<16x100xi32, #tpu.memory_space<vmem>> -> memref<1x100xi32, #tpu.memory_space<vmem>>
    %dma_wait3A_255 = tpu.memref_squeeze %dma_wait3A_254 : memref<1x100xi32, #tpu.memory_space<vmem>> -> memref<100xi32, #tpu.memory_space<vmem>>
    %dma_wait3A_256 = arith.constant 0 : i32
    %dma_wait3A_257 = arith.constant 0 : i32
    %dma_wait3A_258 = tpu.memref_slice %arg2[%dma_wait3A_256, %dma_wait3A_257] : memref<100000x32xf32, #tpu.memory_space<hbm>> -> memref<100000x32xf32, #tpu.memory_space<hbm>>
    tpu.wait_indirect_dma semaphore(%arg8 : memref<!tpu.dma_semaphore, #tpu.memory_space<semaphore_mem>>) src(%dma_wait3A_258 : memref<100000x32xf32, #tpu.memory_space<hbm>>) dst(%dma_wait3A_252 : memref<100x32xf32, #tpu.memory_space<vmem>>)
    %dma_wait3A_259 = arith.constant 10 : i32
    %dma_wait3A_260 = arith.constant 1000 : i32
    %dma_wait3A_261 = arith.constant 0 : i32
    %dma_wait3A_262 = tpu.memref_slice %arg6[%dma_wait3A_260, %dma_wait3A_261] : memref<1600x32xf32, #tpu.memory_space<vmem>> -> memref<100x32xf32, #tpu.memory_space<vmem>>
    %dma_wait3A_263 = arith.constant 0 : i32
    %dma_wait3A_264 = tpu.memref_slice %arg5[%dma_wait3A_259, %dma_wait3A_263] : memref<16x100xi32, #tpu.memory_space<vmem>> -> memref<1x100xi32, #tpu.memory_space<vmem>>
    %dma_wait3A_265 = tpu.memref_squeeze %dma_wait3A_264 : memref<1x100xi32, #tpu.memory_space<vmem>> -> memref<100xi32, #tpu.memory_space<vmem>>
    %dma_wait3A_266 = arith.constant 0 : i32
    %dma_wait3A_267 = arith.constant 0 : i32
    %dma_wait3A_268 = tpu.memref_slice %arg2[%dma_wait3A_266, %dma_wait3A_267] : memref<100000x32xf32, #tpu.memory_space<hbm>> -> memref<100000x32xf32, #tpu.memory_space<hbm>>
    tpu.wait_indirect_dma semaphore(%arg8 : memref<!tpu.dma_semaphore, #tpu.memory_space<semaphore_mem>>) src(%dma_wait3A_268 : memref<100000x32xf32, #tpu.memory_space<hbm>>) dst(%dma_wait3A_262 : memref<100x32xf32, #tpu.memory_space<vmem>>)
    %dma_wait3A_269 = arith.constant 11 : i32
    %dma_wait3A_270 = arith.constant 1100 : i32
    %dma_wait3A_271 = arith.constant 0 : i32
    %dma_wait3A_272 = tpu.memref_slice %arg6[%dma_wait3A_270, %dma_wait3A_271] : memref<1600x32xf32, #tpu.memory_space<vmem>> -> memref<100x32xf32, #tpu.memory_space<vmem>>
    %dma_wait3A_273 = arith.constant 0 : i32
    %dma_wait3A_274 = tpu.memref_slice %arg5[%dma_wait3A_269, %dma_wait3A_273] : memref<16x100xi32, #tpu.memory_space<vmem>> -> memref<1x100xi32, #tpu.memory_space<vmem>>
    %dma_wait3A_275 = tpu.memref_squeeze %dma_wait3A_274 : memref<1x100xi32, #tpu.memory_space<vmem>> -> memref<100xi32, #tpu.memory_space<vmem>>
    %dma_wait3A_276 = arith.constant 0 : i32
    %dma_wait3A_277 = arith.constant 0 : i32
    %dma_wait3A_278 = tpu.memref_slice %arg2[%dma_wait3A_276, %dma_wait3A_277] : memref<100000x32xf32, #tpu.memory_space<hbm>> -> memref<100000x32xf32, #tpu.memory_space<hbm>>
    tpu.wait_indirect_dma semaphore(%arg8 : memref<!tpu.dma_semaphore, #tpu.memory_space<semaphore_mem>>) src(%dma_wait3A_278 : memref<100000x32xf32, #tpu.memory_space<hbm>>) dst(%dma_wait3A_272 : memref<100x32xf32, #tpu.memory_space<vmem>>)
    %dma_wait3A_279 = arith.constant 12 : i32
    %dma_wait3A_280 = arith.constant 1200 : i32
    %dma_wait3A_281 = arith.constant 0 : i32
    %dma_wait3A_282 = tpu.memref_slice %arg6[%dma_wait3A_280, %dma_wait3A_281] : memref<1600x32xf32, #tpu.memory_space<vmem>> -> memref<100x32xf32, #tpu.memory_space<vmem>>
    %dma_wait3A_283 = arith.constant 0 : i32
    %dma_wait3A_284 = tpu.memref_slice %arg5[%dma_wait3A_279, %dma_wait3A_283] : memref<16x100xi32, #tpu.memory_space<vmem>> -> memref<1x100xi32, #tpu.memory_space<vmem>>
    %dma_wait3A_285 = tpu.memref_squeeze %dma_wait3A_284 : memref<1x100xi32, #tpu.memory_space<vmem>> -> memref<100xi32, #tpu.memory_space<vmem>>
    %dma_wait3A_286 = arith.constant 0 : i32
    %dma_wait3A_287 = arith.constant 0 : i32
    %dma_wait3A_288 = tpu.memref_slice %arg2[%dma_wait3A_286, %dma_wait3A_287] : memref<100000x32xf32, #tpu.memory_space<hbm>> -> memref<100000x32xf32, #tpu.memory_space<hbm>>
    tpu.wait_indirect_dma semaphore(%arg8 : memref<!tpu.dma_semaphore, #tpu.memory_space<semaphore_mem>>) src(%dma_wait3A_288 : memref<100000x32xf32, #tpu.memory_space<hbm>>) dst(%dma_wait3A_282 : memref<100x32xf32, #tpu.memory_space<vmem>>)
    %dma_wait3A_289 = arith.constant 13 : i32
    %dma_wait3A_290 = arith.constant 1300 : i32
    %dma_wait3A_291 = arith.constant 0 : i32
    %dma_wait3A_292 = tpu.memref_slice %arg6[%dma_wait3A_290, %dma_wait3A_291] : memref<1600x32xf32, #tpu.memory_space<vmem>> -> memref<100x32xf32, #tpu.memory_space<vmem>>
    %dma_wait3A_293 = arith.constant 0 : i32
    %dma_wait3A_294 = tpu.memref_slice %arg5[%dma_wait3A_289, %dma_wait3A_293] : memref<16x100xi32, #tpu.memory_space<vmem>> -> memref<1x100xi32, #tpu.memory_space<vmem>>
    %dma_wait3A_295 = tpu.memref_squeeze %dma_wait3A_294 : memref<1x100xi32, #tpu.memory_space<vmem>> -> memref<100xi32, #tpu.memory_space<vmem>>
    %dma_wait3A_296 = arith.constant 0 : i32
    %dma_wait3A_297 = arith.constant 0 : i32
    %dma_wait3A_298 = tpu.memref_slice %arg2[%dma_wait3A_296, %dma_wait3A_297] : memref<100000x32xf32, #tpu.memory_space<hbm>> -> memref<100000x32xf32, #tpu.memory_space<hbm>>
    tpu.wait_indirect_dma semaphore(%arg8 : memref<!tpu.dma_semaphore, #tpu.memory_space<semaphore_mem>>) src(%dma_wait3A_298 : memref<100000x32xf32, #tpu.memory_space<hbm>>) dst(%dma_wait3A_292 : memref<100x32xf32, #tpu.memory_space<vmem>>)
    %dma_wait3A_299 = arith.constant 14 : i32
    %dma_wait3A_300 = arith.constant 1400 : i32
    %dma_wait3A_301 = arith.constant 0 : i32
    %dma_wait3A_302 = tpu.memref_slice %arg6[%dma_wait3A_300, %dma_wait3A_301] : memref<1600x32xf32, #tpu.memory_space<vmem>> -> memref<100x32xf32, #tpu.memory_space<vmem>>
    %dma_wait3A_303 = arith.constant 0 : i32
    %dma_wait3A_304 = tpu.memref_slice %arg5[%dma_wait3A_299, %dma_wait3A_303] : memref<16x100xi32, #tpu.memory_space<vmem>> -> memref<1x100xi32, #tpu.memory_space<vmem>>
    %dma_wait3A_305 = tpu.memref_squeeze %dma_wait3A_304 : memref<1x100xi32, #tpu.memory_space<vmem>> -> memref<100xi32, #tpu.memory_space<vmem>>
    %dma_wait3A_306 = arith.constant 0 : i32
    %dma_wait3A_307 = arith.constant 0 : i32
    %dma_wait3A_308 = tpu.memref_slice %arg2[%dma_wait3A_306, %dma_wait3A_307] : memref<100000x32xf32, #tpu.memory_space<hbm>> -> memref<100000x32xf32, #tpu.memory_space<hbm>>
    tpu.wait_indirect_dma semaphore(%arg8 : memref<!tpu.dma_semaphore, #tpu.memory_space<semaphore_mem>>) src(%dma_wait3A_308 : memref<100000x32xf32, #tpu.memory_space<hbm>>) dst(%dma_wait3A_302 : memref<100x32xf32, #tpu.memory_space<vmem>>)
    %dma_wait3A_309 = arith.constant 15 : i32
    %dma_wait3A_310 = arith.constant 1500 : i32
    %dma_wait3A_311 = arith.constant 0 : i32
    %dma_wait3A_312 = tpu.memref_slice %arg6[%dma_wait3A_310, %dma_wait3A_311] : memref<1600x32xf32, #tpu.memory_space<vmem>> -> memref<100x32xf32, #tpu.memory_space<vmem>>
    %dma_wait3A_313 = arith.constant 0 : i32
    %dma_wait3A_314 = tpu.memref_slice %arg5[%dma_wait3A_309, %dma_wait3A_313] : memref<16x100xi32, #tpu.memory_space<vmem>> -> memref<1x100xi32, #tpu.memory_space<vmem>>
    %dma_wait3A_315 = tpu.memref_squeeze %dma_wait3A_314 : memref<1x100xi32, #tpu.memory_space<vmem>> -> memref<100xi32, #tpu.memory_space<vmem>>
    %dma_wait3A_316 = arith.constant 0 : i32
    %dma_wait3A_317 = arith.constant 0 : i32
    %dma_wait3A_318 = tpu.memref_slice %arg2[%dma_wait3A_316, %dma_wait3A_317] : memref<100000x32xf32, #tpu.memory_space<hbm>> -> memref<100000x32xf32, #tpu.memory_space<hbm>>
    tpu.wait_indirect_dma semaphore(%arg8 : memref<!tpu.dma_semaphore, #tpu.memory_space<semaphore_mem>>) src(%dma_wait3A_318 : memref<100000x32xf32, #tpu.memory_space<hbm>>) dst(%dma_wait3A_312 : memref<100x32xf32, #tpu.memory_space<vmem>>)
    %scan3A = arith.constant 0 : i32
    %scan3A_319 = arith.constant 2.000000e-02 : f32
    %scan3A_320 = arith.constant 0 : i32
    %scan3A_321 = arith.constant 32 : i32
    %scan3A_322 = arith.addi %scan3A_320, %scan3A_321 : i32
    %scan3A_323 = arith.constant 1 : i32
    scf.for %scan3A_327 = %scan3A_320 to %scan3A_322 step %scan3A_323  : i32 {
      %broadcast_in_dim3A = arith.constant 0.000000e+00 : f32
      %broadcast_in_dim3A_328 = vector.broadcast %broadcast_in_dim3A : f32 to vector<16xf32>
      %scan3A_329 = arith.constant 0 : i32
      %scan3A_330 = arith.constant 50 : i32
      %scan3A_331 = arith.addi %scan3A_329, %scan3A_330 : i32
      %scan3A_332 = arith.constant 1 : i32
      %scan3A_333:2 = scf.for %scan3A_348 = %scan3A_329 to %scan3A_331 step %scan3A_332 iter_args(%scan3A_349 = %broadcast_in_dim3A_328, %scan3A_350 = %broadcast_in_dim3A_328) -> (vector<16xf32>, vector<16xf32>)  : i32 {
        %mul3A_351 = arith.constant 50 : i32
        %mul3A_352 = arith.muli %scan3A_327, %mul3A_351 : i32
        %add3A_353 = arith.addi %mul3A_352, %scan3A_348 : i32
        %get3A = arith.index_cast %add3A_353 : i32 to index
        %get3A_354 = arith.constant 0 : index
        %get3A_355 = tpu.vector_load %arg6[%get3A, %get3A_354] {strides = array<i32>} : memref<1600x32xf32, #tpu.memory_space<vmem>>, vector<1x16xf32>,
        %get3A_356 = vector.shape_cast %get3A_355 : vector<1x16xf32> to vector<16xf32>
        %add3A_357 = arith.addf %scan3A_349, %get3A_356 : vector<16xf32>
        %get3A_358 = arith.index_cast %add3A_353 : i32 to index
        %get3A_359 = arith.constant 16 : index
        %get3A_360 = tpu.vector_load %arg6[%get3A_358, %get3A_359] {strides = array<i32>} : memref<1600x32xf32, #tpu.memory_space<vmem>>, vector<1x16xf32>,
        %get3A_361 = vector.shape_cast %get3A_360 : vector<1x16xf32> to vector<16xf32>
        %add3A_362 = arith.addf %scan3A_350, %get3A_361 : vector<16xf32>
        scf.yield %add3A_357, %add3A_362 : vector<16xf32>, vector<16xf32>
      }
      %scan3A_334 = arith.constant 50 : i32
      %mul3A_335 = vector.broadcast %scan3A_319 : f32 to vector<16xf32>
      %mul3A_336 = arith.mulf %scan3A_333#0, %mul3A_335 : vector<16xf32>
      %swap3A = arith.index_cast %scan3A_327 : i32 to index
      %swap3A_337 = arith.constant 0 : index
      %swap3A_338 = tpu.vector_load %arg7[%swap3A, %swap3A_337] {strides = array<i32>} : memref<32x32xf32, #tpu.memory_space<vmem>>, vector<1x16xf32>,
      %swap3A_339 = vector.shape_cast %swap3A_338 : vector<1x16xf32> to vector<16xf32>
      %swap3A_340 = vector.shape_cast %mul3A_336 : vector<16xf32> to vector<1x16xf32>
      tpu.vector_store %arg7[%swap3A, %swap3A_337], %swap3A_340 {strides = array<i32>} : memref<32x32xf32, #tpu.memory_space<vmem>>, vector<1x16xf32>,
      %mul3A_341 = vector.broadcast %scan3A_319 : f32 to vector<16xf32>
      %mul3A_342 = arith.mulf %scan3A_333#1, %mul3A_341 : vector<16xf32>
      %swap3A_343 = arith.index_cast %scan3A_327 : i32 to index
      %swap3A_344 = arith.constant 16 : index
      %swap3A_345 = tpu.vector_load %arg7[%swap3A_343, %swap3A_344] {strides = array<i32>} : memref<32x32xf32, #tpu.memory_space<vmem>>, vector<1x16xf32>,
      %swap3A_346 = vector.shape_cast %swap3A_345 : vector<1x16xf32> to vector<16xf32>
      %swap3A_347 = vector.shape_cast %mul3A_342 : vector<16xf32> to vector<1x16xf32>
      tpu.vector_store %arg7[%swap3A_343, %swap3A_344], %swap3A_347 {strides = array<i32>} : memref<32x32xf32, #tpu.memory_space<vmem>>, vector<1x16xf32>,
    }
    %scan3A_324 = arith.constant 32 : i32
    %mul3A_325 = arith.constant 32 : i32
    %mul3A_326 = arith.muli %add3A, %mul3A_325 : i32
    "tpu.region"() ({
      %run_scoped3A = tpu.sem_alloc : memref<!tpu.dma_semaphore, #tpu.memory_space<semaphore_mem>>
      %dma_start3A_327 = arith.constant 0 : i32
      %dma_start3A_328 = tpu.memref_slice %arg4[%mul3A_326, %dma_start3A_327] : memref<1024x32xf32, #tpu.memory_space<hbm>> -> memref<32x32xf32, #tpu.memory_space<hbm>>
      %dma_start3A_329 = arith.constant 0 : i32
      %dma_start3A_330 = tpu.memref_slice %arg4[%mul3A_326, %dma_start3A_329] : memref<1024x32xf32, #tpu.memory_space<hbm>> -> memref<32x32xf32, #tpu.memory_space<hbm>>
      tpu.enqueue_dma source(%arg7 : memref<32x32xf32, #tpu.memory_space<vmem>>) target(%dma_start3A_330 : memref<32x32xf32, #tpu.memory_space<hbm>>) target_semaphore(%run_scoped3A : memref<!tpu.dma_semaphore, #tpu.memory_space<semaphore_mem>>)
      %dma_wait3A_331 = arith.constant 0 : i32
      %dma_wait3A_332 = tpu.memref_slice %arg4[%mul3A_326, %dma_wait3A_331] : memref<1024x32xf32, #tpu.memory_space<hbm>> -> memref<32x32xf32, #tpu.memory_space<hbm>>
      %dma_wait3A_333 = arith.constant 0 : i32
      %dma_wait3A_334 = tpu.memref_slice %arg4[%mul3A_326, %dma_wait3A_333] : memref<1024x32xf32, #tpu.memory_space<hbm>> -> memref<32x32xf32, #tpu.memory_space<hbm>>
      tpu.wait_dma2 semaphore(%run_scoped3A : memref<!tpu.dma_semaphore, #tpu.memory_space<semaphore_mem>>) src(%arg7 : memref<32x32xf32, #tpu.memory_space<vmem>>) dst(%dma_wait3A_334 : memref<32x32xf32, #tpu.memory_space<hbm>>)
      tpu.yield
    }) : () -> ()
    return
  }
}

module attributes {stable_mosaic.version = 14 : i64} {
  func.func @_fused_kernel(%arg0: i32, %arg1: memref<1024x32xf32, #tpu.memory_space<vmem>>, %arg2: memref<32x100000xf32, #tpu.memory_space<vmem>>, %arg3: memref<1024x100000xf32, #tpu.memory_space<any>>, %arg4: memref<2x32x100000xf32, #tpu.memory_space<vmem>>, %arg5: memref<2x8x!tpu.dma_semaphore, #tpu.memory_space<semaphore_mem>>) attributes {dimension_semantics = [#tpu.dimension_semantics<arbitrary>], iteration_bounds = array<i64: 32>, scalar_prefetch = 0 : i64, scratch_operands = 2 : i64, tpu.core_type = #tpu.core_type<tc>, window_params = [{pipeline_mode = #tpu.pipeline_mode<synchronous>, transform_indices = @transform_0, window_bounds = array<i64: 1024, 32>}, {pipeline_mode = #tpu.pipeline_mode<synchronous>, transform_indices = @transform_1, window_bounds = array<i64: 32, 100000>}, {}]} {
    %rem3A = arith.constant 2 : i32
    %rem3A_0 = arith.remsi %arg0, %rem3A : i32
    %mul3A = arith.constant 32 : i32
    %mul3A_1 = arith.muli %arg0, %mul3A : i32
    %get3A = arith.index_cast %mul3A_1 : i32 to index
    %get3A_2 = arith.constant 0 : index
    %get3A_3 = vector.load %arg1[%get3A, %get3A_2] : memref<1024x32xf32, #tpu.memory_space<vmem>>, vector<32x32xf32>
    %broadcast_in_dim3A = arith.constant 0.000000e+00 : f32
    %broadcast_in_dim3A_4 = vector.broadcast %broadcast_in_dim3A : f32 to vector<32x1xf32>
    %ge3A = arith.constant 2 : i32
    %ge3A_5 = arith.cmpi sge, %arg0, %ge3A : i32
    %convert_element_type3A = arith.extui %ge3A_5 : i1 to i32
    %cond3A = arith.constant 0 : i32
    %cond3A_6 = arith.cmpi ne, %convert_element_type3A, %cond3A : i32
    scf.if %cond3A_6 {
      %dma_wait3A = arith.constant 0 : i32
      %dma_wait3A_359 = tpu.memref_slice %arg5[%rem3A_0, %dma_wait3A] : memref<2x8x!tpu.dma_semaphore, #tpu.memory_space<semaphore_mem>> -> memref<1x1x!tpu.dma_semaphore, #tpu.memory_space<semaphore_mem>>
      %dma_wait3A_360 = tpu.memref_squeeze %dma_wait3A_359 : memref<1x1x!tpu.dma_semaphore, #tpu.memory_space<semaphore_mem>> -> memref<!tpu.dma_semaphore, #tpu.memory_space<semaphore_mem>>
      %dma_wait3A_361 = arith.constant 0 : i32
      %dma_wait3A_362 = arith.constant 0 : i32
      %dma_wait3A_363 = tpu.memref_slice %arg3[%dma_wait3A_361, %dma_wait3A_362] : memref<1024x100000xf32, #tpu.memory_space<any>> -> memref<32x12800xf32, #tpu.memory_space<any>>
      %dma_wait3A_364 = arith.constant 0 : i32
      %dma_wait3A_365 = arith.constant 0 : i32
      %dma_wait3A_366 = tpu.memref_slice %arg4[%rem3A_0, %dma_wait3A_364, %dma_wait3A_365] : memref<2x32x100000xf32, #tpu.memory_space<vmem>> -> memref<1x32x12800xf32, #tpu.memory_space<vmem>>
      %dma_wait3A_367 = tpu.memref_squeeze %dma_wait3A_366 : memref<1x32x12800xf32, #tpu.memory_space<vmem>> -> memref<32x12800xf32, #tpu.memory_space<vmem>>
      tpu.wait_dma2 semaphore(%dma_wait3A_360 : memref<!tpu.dma_semaphore, #tpu.memory_space<semaphore_mem>>) src(%dma_wait3A_367 : memref<32x12800xf32, #tpu.memory_space<vmem>>) dst(%dma_wait3A_363 : memref<32x12800xf32, #tpu.memory_space<any>>)
    } else {
    }
    %get3A_7 = arith.constant 0 : index
    %get3A_8 = arith.constant 0 : index
    %get3A_9 = vector.load %arg2[%get3A_7, %get3A_8] : memref<32x100000xf32, #tpu.memory_space<vmem>>, vector<32x12800xf32>
    %dot_general3A = arith.constant dense<0.000000e+00> : vector<32x12800xf32>
    %dot_general3A_10 = tpu.matmul %get3A_3, %get3A_9, %dot_general3A {dimension_numbers = #tpu.dot_dimension_numbers<[1], [0], [0], [1], [0, 0, 1, 1], [], []>, transpose_lhs_hint = false} : vector<32x32xf32>, vector<32x12800xf32>, vector<32x12800xf32> -> vector<32x12800xf32>
    %swap3A = arith.index_cast %rem3A_0 : i32 to index
    %swap3A_11 = arith.constant 0 : index
    %swap3A_12 = arith.constant 0 : index
    %swap3A_13 = vector.load %arg4[%swap3A, %swap3A_11, %swap3A_12] : memref<2x32x100000xf32, #tpu.memory_space<vmem>>, vector<1x32x12800xf32>
    %swap3A_14 = vector.shape_cast %swap3A_13 : vector<1x32x12800xf32> to vector<32x12800xf32>
    %swap3A_15 = vector.shape_cast %dot_general3A_10 : vector<32x12800xf32> to vector<1x32x12800xf32>
    tpu.vector_store %arg4[%swap3A, %swap3A_11, %swap3A_12], %swap3A_15 {strides = array<i32>} : memref<2x32x100000xf32, #tpu.memory_space<vmem>>, vector<1x32x12800xf32>,
    %exp3A = math.exp %dot_general3A_10 : vector<32x12800xf32>
    %reduce_sum3A = arith.constant dense<0.000000e+00> : vector<32xf32>
    %reduce_sum3A_16 = vector.multi_reduction <add>, %exp3A, %reduce_sum3A [1] : vector<32x12800xf32> to vector<32xf32>
    %broadcast_in_dim3A_17 = vector.shape_cast %reduce_sum3A_16 : vector<32xf32> to vector<32x1xf32>
    %add3A = arith.addf %broadcast_in_dim3A_4, %broadcast_in_dim3A_17 : vector<32x1xf32>
    %ge3A_18 = arith.constant 2 : i32
    %ge3A_19 = arith.cmpi sge, %arg0, %ge3A_18 : i32
    %convert_element_type3A_20 = arith.extui %ge3A_19 : i1 to i32
    %cond3A_21 = arith.constant 0 : i32
    %cond3A_22 = arith.cmpi ne, %convert_element_type3A_20, %cond3A_21 : i32
    scf.if %cond3A_22 {
      %dma_wait3A = arith.constant 1 : i32
      %dma_wait3A_359 = tpu.memref_slice %arg5[%rem3A_0, %dma_wait3A] : memref<2x8x!tpu.dma_semaphore, #tpu.memory_space<semaphore_mem>> -> memref<1x1x!tpu.dma_semaphore, #tpu.memory_space<semaphore_mem>>
      %dma_wait3A_360 = tpu.memref_squeeze %dma_wait3A_359 : memref<1x1x!tpu.dma_semaphore, #tpu.memory_space<semaphore_mem>> -> memref<!tpu.dma_semaphore, #tpu.memory_space<semaphore_mem>>
      %dma_wait3A_361 = arith.constant 0 : i32
      %dma_wait3A_362 = arith.constant 12800 : i32
      %dma_wait3A_363 = tpu.memref_slice %arg3[%dma_wait3A_361, %dma_wait3A_362] : memref<1024x100000xf32, #tpu.memory_space<any>> -> memref<32x12800xf32, #tpu.memory_space<any>>
      %dma_wait3A_364 = arith.constant 0 : i32
      %dma_wait3A_365 = arith.constant 12800 : i32
      %dma_wait3A_366 = tpu.memref_slice %arg4[%rem3A_0, %dma_wait3A_364, %dma_wait3A_365] : memref<2x32x100000xf32, #tpu.memory_space<vmem>> -> memref<1x32x12800xf32, #tpu.memory_space<vmem>>
      %dma_wait3A_367 = tpu.memref_squeeze %dma_wait3A_366 : memref<1x32x12800xf32, #tpu.memory_space<vmem>> -> memref<32x12800xf32, #tpu.memory_space<vmem>>
      tpu.wait_dma2 semaphore(%dma_wait3A_360 : memref<!tpu.dma_semaphore, #tpu.memory_space<semaphore_mem>>) src(%dma_wait3A_367 : memref<32x12800xf32, #tpu.memory_space<vmem>>) dst(%dma_wait3A_363 : memref<32x12800xf32, #tpu.memory_space<any>>)
    } else {
    }
    %get3A_23 = arith.constant 0 : index
    %get3A_24 = arith.constant 12800 : index
    %get3A_25 = vector.load %arg2[%get3A_23, %get3A_24] : memref<32x100000xf32, #tpu.memory_space<vmem>>, vector<32x12800xf32>
    %dot_general3A_26 = arith.constant dense<0.000000e+00> : vector<32x12800xf32>
    %dot_general3A_27 = tpu.matmul %get3A_3, %get3A_25, %dot_general3A_26 {dimension_numbers = #tpu.dot_dimension_numbers<[1], [0], [0], [1], [0, 0, 1, 1], [], []>, transpose_lhs_hint = false} : vector<32x32xf32>, vector<32x12800xf32>, vector<32x12800xf32> -> vector<32x12800xf32>
    %swap3A_28 = arith.index_cast %rem3A_0 : i32 to index
    %swap3A_29 = arith.constant 0 : index
    %swap3A_30 = arith.constant 12800 : index
    %swap3A_31 = vector.load %arg4[%swap3A_28, %swap3A_29, %swap3A_30] : memref<2x32x100000xf32, #tpu.memory_space<vmem>>, vector<1x32x12800xf32>
    %swap3A_32 = vector.shape_cast %swap3A_31 : vector<1x32x12800xf32> to vector<32x12800xf32>
    %swap3A_33 = vector.shape_cast %dot_general3A_27 : vector<32x12800xf32> to vector<1x32x12800xf32>
    tpu.vector_store %arg4[%swap3A_28, %swap3A_29, %swap3A_30], %swap3A_33 {strides = array<i32>} : memref<2x32x100000xf32, #tpu.memory_space<vmem>>, vector<1x32x12800xf32>,
    %exp3A_34 = math.exp %dot_general3A_27 : vector<32x12800xf32>
    %reduce_sum3A_35 = arith.constant dense<0.000000e+00> : vector<32xf32>
    %reduce_sum3A_36 = vector.multi_reduction <add>, %exp3A_34, %reduce_sum3A_35 [1] : vector<32x12800xf32> to vector<32xf32>
    %broadcast_in_dim3A_37 = vector.shape_cast %reduce_sum3A_36 : vector<32xf32> to vector<32x1xf32>
    %add3A_38 = arith.addf %add3A, %broadcast_in_dim3A_37 : vector<32x1xf32>
    %ge3A_39 = arith.constant 2 : i32
    %ge3A_40 = arith.cmpi sge, %arg0, %ge3A_39 : i32
    %convert_element_type3A_41 = arith.extui %ge3A_40 : i1 to i32
    %cond3A_42 = arith.constant 0 : i32
    %cond3A_43 = arith.cmpi ne, %convert_element_type3A_41, %cond3A_42 : i32
    scf.if %cond3A_43 {
      %dma_wait3A = arith.constant 2 : i32
      %dma_wait3A_359 = tpu.memref_slice %arg5[%rem3A_0, %dma_wait3A] : memref<2x8x!tpu.dma_semaphore, #tpu.memory_space<semaphore_mem>> -> memref<1x1x!tpu.dma_semaphore, #tpu.memory_space<semaphore_mem>>
      %dma_wait3A_360 = tpu.memref_squeeze %dma_wait3A_359 : memref<1x1x!tpu.dma_semaphore, #tpu.memory_space<semaphore_mem>> -> memref<!tpu.dma_semaphore, #tpu.memory_space<semaphore_mem>>
      %dma_wait3A_361 = arith.constant 0 : i32
      %dma_wait3A_362 = arith.constant 25600 : i32
      %dma_wait3A_363 = tpu.memref_slice %arg3[%dma_wait3A_361, %dma_wait3A_362] : memref<1024x100000xf32, #tpu.memory_space<any>> -> memref<32x12800xf32, #tpu.memory_space<any>>
      %dma_wait3A_364 = arith.constant 0 : i32
      %dma_wait3A_365 = arith.constant 25600 : i32
      %dma_wait3A_366 = tpu.memref_slice %arg4[%rem3A_0, %dma_wait3A_364, %dma_wait3A_365] : memref<2x32x100000xf32, #tpu.memory_space<vmem>> -> memref<1x32x12800xf32, #tpu.memory_space<vmem>>
      %dma_wait3A_367 = tpu.memref_squeeze %dma_wait3A_366 : memref<1x32x12800xf32, #tpu.memory_space<vmem>> -> memref<32x12800xf32, #tpu.memory_space<vmem>>
      tpu.wait_dma2 semaphore(%dma_wait3A_360 : memref<!tpu.dma_semaphore, #tpu.memory_space<semaphore_mem>>) src(%dma_wait3A_367 : memref<32x12800xf32, #tpu.memory_space<vmem>>) dst(%dma_wait3A_363 : memref<32x12800xf32, #tpu.memory_space<any>>)
    } else {
    }
    %get3A_44 = arith.constant 0 : index
    %get3A_45 = arith.constant 25600 : index
    %get3A_46 = vector.load %arg2[%get3A_44, %get3A_45] : memref<32x100000xf32, #tpu.memory_space<vmem>>, vector<32x12800xf32>
    %dot_general3A_47 = arith.constant dense<0.000000e+00> : vector<32x12800xf32>
    %dot_general3A_48 = tpu.matmul %get3A_3, %get3A_46, %dot_general3A_47 {dimension_numbers = #tpu.dot_dimension_numbers<[1], [0], [0], [1], [0, 0, 1, 1], [], []>, transpose_lhs_hint = false} : vector<32x32xf32>, vector<32x12800xf32>, vector<32x12800xf32> -> vector<32x12800xf32>
    %swap3A_49 = arith.index_cast %rem3A_0 : i32 to index
    %swap3A_50 = arith.constant 0 : index
    %swap3A_51 = arith.constant 25600 : index
    %swap3A_52 = vector.load %arg4[%swap3A_49, %swap3A_50, %swap3A_51] : memref<2x32x100000xf32, #tpu.memory_space<vmem>>, vector<1x32x12800xf32>
    %swap3A_53 = vector.shape_cast %swap3A_52 : vector<1x32x12800xf32> to vector<32x12800xf32>
    %swap3A_54 = vector.shape_cast %dot_general3A_48 : vector<32x12800xf32> to vector<1x32x12800xf32>
    tpu.vector_store %arg4[%swap3A_49, %swap3A_50, %swap3A_51], %swap3A_54 {strides = array<i32>} : memref<2x32x100000xf32, #tpu.memory_space<vmem>>, vector<1x32x12800xf32>,
    %exp3A_55 = math.exp %dot_general3A_48 : vector<32x12800xf32>
    %reduce_sum3A_56 = arith.constant dense<0.000000e+00> : vector<32xf32>
    %reduce_sum3A_57 = vector.multi_reduction <add>, %exp3A_55, %reduce_sum3A_56 [1] : vector<32x12800xf32> to vector<32xf32>
    %broadcast_in_dim3A_58 = vector.shape_cast %reduce_sum3A_57 : vector<32xf32> to vector<32x1xf32>
    %add3A_59 = arith.addf %add3A_38, %broadcast_in_dim3A_58 : vector<32x1xf32>
    %ge3A_60 = arith.constant 2 : i32
    %ge3A_61 = arith.cmpi sge, %arg0, %ge3A_60 : i32
    %convert_element_type3A_62 = arith.extui %ge3A_61 : i1 to i32
    %cond3A_63 = arith.constant 0 : i32
    %cond3A_64 = arith.cmpi ne, %convert_element_type3A_62, %cond3A_63 : i32
    scf.if %cond3A_64 {
      %dma_wait3A = arith.constant 3 : i32
      %dma_wait3A_359 = tpu.memref_slice %arg5[%rem3A_0, %dma_wait3A] : memref<2x8x!tpu.dma_semaphore, #tpu.memory_space<semaphore_mem>> -> memref<1x1x!tpu.dma_semaphore, #tpu.memory_space<semaphore_mem>>
      %dma_wait3A_360 = tpu.memref_squeeze %dma_wait3A_359 : memref<1x1x!tpu.dma_semaphore, #tpu.memory_space<semaphore_mem>> -> memref<!tpu.dma_semaphore, #tpu.memory_space<semaphore_mem>>
      %dma_wait3A_361 = arith.constant 0 : i32
      %dma_wait3A_362 = arith.constant 38400 : i32
      %dma_wait3A_363 = tpu.memref_slice %arg3[%dma_wait3A_361, %dma_wait3A_362] : memref<1024x100000xf32, #tpu.memory_space<any>> -> memref<32x12800xf32, #tpu.memory_space<any>>
      %dma_wait3A_364 = arith.constant 0 : i32
      %dma_wait3A_365 = arith.constant 38400 : i32
      %dma_wait3A_366 = tpu.memref_slice %arg4[%rem3A_0, %dma_wait3A_364, %dma_wait3A_365] : memref<2x32x100000xf32, #tpu.memory_space<vmem>> -> memref<1x32x12800xf32, #tpu.memory_space<vmem>>
      %dma_wait3A_367 = tpu.memref_squeeze %dma_wait3A_366 : memref<1x32x12800xf32, #tpu.memory_space<vmem>> -> memref<32x12800xf32, #tpu.memory_space<vmem>>
      tpu.wait_dma2 semaphore(%dma_wait3A_360 : memref<!tpu.dma_semaphore, #tpu.memory_space<semaphore_mem>>) src(%dma_wait3A_367 : memref<32x12800xf32, #tpu.memory_space<vmem>>) dst(%dma_wait3A_363 : memref<32x12800xf32, #tpu.memory_space<any>>)
    } else {
    }
    %get3A_65 = arith.constant 0 : index
    %get3A_66 = arith.constant 38400 : index
    %get3A_67 = vector.load %arg2[%get3A_65, %get3A_66] : memref<32x100000xf32, #tpu.memory_space<vmem>>, vector<32x12800xf32>
    %dot_general3A_68 = arith.constant dense<0.000000e+00> : vector<32x12800xf32>
    %dot_general3A_69 = tpu.matmul %get3A_3, %get3A_67, %dot_general3A_68 {dimension_numbers = #tpu.dot_dimension_numbers<[1], [0], [0], [1], [0, 0, 1, 1], [], []>, transpose_lhs_hint = false} : vector<32x32xf32>, vector<32x12800xf32>, vector<32x12800xf32> -> vector<32x12800xf32>
    %swap3A_70 = arith.index_cast %rem3A_0 : i32 to index
    %swap3A_71 = arith.constant 0 : index
    %swap3A_72 = arith.constant 38400 : index
    %swap3A_73 = vector.load %arg4[%swap3A_70, %swap3A_71, %swap3A_72] : memref<2x32x100000xf32, #tpu.memory_space<vmem>>, vector<1x32x12800xf32>
    %swap3A_74 = vector.shape_cast %swap3A_73 : vector<1x32x12800xf32> to vector<32x12800xf32>
    %swap3A_75 = vector.shape_cast %dot_general3A_69 : vector<32x12800xf32> to vector<1x32x12800xf32>
    tpu.vector_store %arg4[%swap3A_70, %swap3A_71, %swap3A_72], %swap3A_75 {strides = array<i32>} : memref<2x32x100000xf32, #tpu.memory_space<vmem>>, vector<1x32x12800xf32>,
    %exp3A_76 = math.exp %dot_general3A_69 : vector<32x12800xf32>
    %reduce_sum3A_77 = arith.constant dense<0.000000e+00> : vector<32xf32>
    %reduce_sum3A_78 = vector.multi_reduction <add>, %exp3A_76, %reduce_sum3A_77 [1] : vector<32x12800xf32> to vector<32xf32>
    %broadcast_in_dim3A_79 = vector.shape_cast %reduce_sum3A_78 : vector<32xf32> to vector<32x1xf32>
    %add3A_80 = arith.addf %add3A_59, %broadcast_in_dim3A_79 : vector<32x1xf32>
    %ge3A_81 = arith.constant 2 : i32
    %ge3A_82 = arith.cmpi sge, %arg0, %ge3A_81 : i32
    %convert_element_type3A_83 = arith.extui %ge3A_82 : i1 to i32
    %cond3A_84 = arith.constant 0 : i32
    %cond3A_85 = arith.cmpi ne, %convert_element_type3A_83, %cond3A_84 : i32
    scf.if %cond3A_85 {
      %dma_wait3A = arith.constant 4 : i32
      %dma_wait3A_359 = tpu.memref_slice %arg5[%rem3A_0, %dma_wait3A] : memref<2x8x!tpu.dma_semaphore, #tpu.memory_space<semaphore_mem>> -> memref<1x1x!tpu.dma_semaphore, #tpu.memory_space<semaphore_mem>>
      %dma_wait3A_360 = tpu.memref_squeeze %dma_wait3A_359 : memref<1x1x!tpu.dma_semaphore, #tpu.memory_space<semaphore_mem>> -> memref<!tpu.dma_semaphore, #tpu.memory_space<semaphore_mem>>
      %dma_wait3A_361 = arith.constant 0 : i32
      %dma_wait3A_362 = arith.constant 51200 : i32
      %dma_wait3A_363 = tpu.memref_slice %arg3[%dma_wait3A_361, %dma_wait3A_362] : memref<1024x100000xf32, #tpu.memory_space<any>> -> memref<32x12800xf32, #tpu.memory_space<any>>
      %dma_wait3A_364 = arith.constant 0 : i32
      %dma_wait3A_365 = arith.constant 51200 : i32
      %dma_wait3A_366 = tpu.memref_slice %arg4[%rem3A_0, %dma_wait3A_364, %dma_wait3A_365] : memref<2x32x100000xf32, #tpu.memory_space<vmem>> -> memref<1x32x12800xf32, #tpu.memory_space<vmem>>
      %dma_wait3A_367 = tpu.memref_squeeze %dma_wait3A_366 : memref<1x32x12800xf32, #tpu.memory_space<vmem>> -> memref<32x12800xf32, #tpu.memory_space<vmem>>
      tpu.wait_dma2 semaphore(%dma_wait3A_360 : memref<!tpu.dma_semaphore, #tpu.memory_space<semaphore_mem>>) src(%dma_wait3A_367 : memref<32x12800xf32, #tpu.memory_space<vmem>>) dst(%dma_wait3A_363 : memref<32x12800xf32, #tpu.memory_space<any>>)
    } else {
    }
    %get3A_86 = arith.constant 0 : index
    %get3A_87 = arith.constant 51200 : index
    %get3A_88 = vector.load %arg2[%get3A_86, %get3A_87] : memref<32x100000xf32, #tpu.memory_space<vmem>>, vector<32x12800xf32>
    %dot_general3A_89 = arith.constant dense<0.000000e+00> : vector<32x12800xf32>
    %dot_general3A_90 = tpu.matmul %get3A_3, %get3A_88, %dot_general3A_89 {dimension_numbers = #tpu.dot_dimension_numbers<[1], [0], [0], [1], [0, 0, 1, 1], [], []>, transpose_lhs_hint = false} : vector<32x32xf32>, vector<32x12800xf32>, vector<32x12800xf32> -> vector<32x12800xf32>
    %swap3A_91 = arith.index_cast %rem3A_0 : i32 to index
    %swap3A_92 = arith.constant 0 : index
    %swap3A_93 = arith.constant 51200 : index
    %swap3A_94 = vector.load %arg4[%swap3A_91, %swap3A_92, %swap3A_93] : memref<2x32x100000xf32, #tpu.memory_space<vmem>>, vector<1x32x12800xf32>
    %swap3A_95 = vector.shape_cast %swap3A_94 : vector<1x32x12800xf32> to vector<32x12800xf32>
    %swap3A_96 = vector.shape_cast %dot_general3A_90 : vector<32x12800xf32> to vector<1x32x12800xf32>
    tpu.vector_store %arg4[%swap3A_91, %swap3A_92, %swap3A_93], %swap3A_96 {strides = array<i32>} : memref<2x32x100000xf32, #tpu.memory_space<vmem>>, vector<1x32x12800xf32>,
    %exp3A_97 = math.exp %dot_general3A_90 : vector<32x12800xf32>
    %reduce_sum3A_98 = arith.constant dense<0.000000e+00> : vector<32xf32>
    %reduce_sum3A_99 = vector.multi_reduction <add>, %exp3A_97, %reduce_sum3A_98 [1] : vector<32x12800xf32> to vector<32xf32>
    %broadcast_in_dim3A_100 = vector.shape_cast %reduce_sum3A_99 : vector<32xf32> to vector<32x1xf32>
    %add3A_101 = arith.addf %add3A_80, %broadcast_in_dim3A_100 : vector<32x1xf32>
    %ge3A_102 = arith.constant 2 : i32
    %ge3A_103 = arith.cmpi sge, %arg0, %ge3A_102 : i32
    %convert_element_type3A_104 = arith.extui %ge3A_103 : i1 to i32
    %cond3A_105 = arith.constant 0 : i32
    %cond3A_106 = arith.cmpi ne, %convert_element_type3A_104, %cond3A_105 : i32
    scf.if %cond3A_106 {
      %dma_wait3A = arith.constant 5 : i32
      %dma_wait3A_359 = tpu.memref_slice %arg5[%rem3A_0, %dma_wait3A] : memref<2x8x!tpu.dma_semaphore, #tpu.memory_space<semaphore_mem>> -> memref<1x1x!tpu.dma_semaphore, #tpu.memory_space<semaphore_mem>>
      %dma_wait3A_360 = tpu.memref_squeeze %dma_wait3A_359 : memref<1x1x!tpu.dma_semaphore, #tpu.memory_space<semaphore_mem>> -> memref<!tpu.dma_semaphore, #tpu.memory_space<semaphore_mem>>
      %dma_wait3A_361 = arith.constant 0 : i32
      %dma_wait3A_362 = arith.constant 64000 : i32
      %dma_wait3A_363 = tpu.memref_slice %arg3[%dma_wait3A_361, %dma_wait3A_362] : memref<1024x100000xf32, #tpu.memory_space<any>> -> memref<32x12800xf32, #tpu.memory_space<any>>
      %dma_wait3A_364 = arith.constant 0 : i32
      %dma_wait3A_365 = arith.constant 64000 : i32
      %dma_wait3A_366 = tpu.memref_slice %arg4[%rem3A_0, %dma_wait3A_364, %dma_wait3A_365] : memref<2x32x100000xf32, #tpu.memory_space<vmem>> -> memref<1x32x12800xf32, #tpu.memory_space<vmem>>
      %dma_wait3A_367 = tpu.memref_squeeze %dma_wait3A_366 : memref<1x32x12800xf32, #tpu.memory_space<vmem>> -> memref<32x12800xf32, #tpu.memory_space<vmem>>
      tpu.wait_dma2 semaphore(%dma_wait3A_360 : memref<!tpu.dma_semaphore, #tpu.memory_space<semaphore_mem>>) src(%dma_wait3A_367 : memref<32x12800xf32, #tpu.memory_space<vmem>>) dst(%dma_wait3A_363 : memref<32x12800xf32, #tpu.memory_space<any>>)
    } else {
    }
    %get3A_107 = arith.constant 0 : index
    %get3A_108 = arith.constant 64000 : index
    %get3A_109 = vector.load %arg2[%get3A_107, %get3A_108] : memref<32x100000xf32, #tpu.memory_space<vmem>>, vector<32x12800xf32>
    %dot_general3A_110 = arith.constant dense<0.000000e+00> : vector<32x12800xf32>
    %dot_general3A_111 = tpu.matmul %get3A_3, %get3A_109, %dot_general3A_110 {dimension_numbers = #tpu.dot_dimension_numbers<[1], [0], [0], [1], [0, 0, 1, 1], [], []>, transpose_lhs_hint = false} : vector<32x32xf32>, vector<32x12800xf32>, vector<32x12800xf32> -> vector<32x12800xf32>
    %swap3A_112 = arith.index_cast %rem3A_0 : i32 to index
    %swap3A_113 = arith.constant 0 : index
    %swap3A_114 = arith.constant 64000 : index
    %swap3A_115 = vector.load %arg4[%swap3A_112, %swap3A_113, %swap3A_114] : memref<2x32x100000xf32, #tpu.memory_space<vmem>>, vector<1x32x12800xf32>
    %swap3A_116 = vector.shape_cast %swap3A_115 : vector<1x32x12800xf32> to vector<32x12800xf32>
    %swap3A_117 = vector.shape_cast %dot_general3A_111 : vector<32x12800xf32> to vector<1x32x12800xf32>
    tpu.vector_store %arg4[%swap3A_112, %swap3A_113, %swap3A_114], %swap3A_117 {strides = array<i32>} : memref<2x32x100000xf32, #tpu.memory_space<vmem>>, vector<1x32x12800xf32>,
    %exp3A_118 = math.exp %dot_general3A_111 : vector<32x12800xf32>
    %reduce_sum3A_119 = arith.constant dense<0.000000e+00> : vector<32xf32>
    %reduce_sum3A_120 = vector.multi_reduction <add>, %exp3A_118, %reduce_sum3A_119 [1] : vector<32x12800xf32> to vector<32xf32>
    %broadcast_in_dim3A_121 = vector.shape_cast %reduce_sum3A_120 : vector<32xf32> to vector<32x1xf32>
    %add3A_122 = arith.addf %add3A_101, %broadcast_in_dim3A_121 : vector<32x1xf32>
    %ge3A_123 = arith.constant 2 : i32
    %ge3A_124 = arith.cmpi sge, %arg0, %ge3A_123 : i32
    %convert_element_type3A_125 = arith.extui %ge3A_124 : i1 to i32
    %cond3A_126 = arith.constant 0 : i32
    %cond3A_127 = arith.cmpi ne, %convert_element_type3A_125, %cond3A_126 : i32
    scf.if %cond3A_127 {
      %dma_wait3A = arith.constant 6 : i32
      %dma_wait3A_359 = tpu.memref_slice %arg5[%rem3A_0, %dma_wait3A] : memref<2x8x!tpu.dma_semaphore, #tpu.memory_space<semaphore_mem>> -> memref<1x1x!tpu.dma_semaphore, #tpu.memory_space<semaphore_mem>>
      %dma_wait3A_360 = tpu.memref_squeeze %dma_wait3A_359 : memref<1x1x!tpu.dma_semaphore, #tpu.memory_space<semaphore_mem>> -> memref<!tpu.dma_semaphore, #tpu.memory_space<semaphore_mem>>
      %dma_wait3A_361 = arith.constant 0 : i32
      %dma_wait3A_362 = arith.constant 76800 : i32
      %dma_wait3A_363 = tpu.memref_slice %arg3[%dma_wait3A_361, %dma_wait3A_362] : memref<1024x100000xf32, #tpu.memory_space<any>> -> memref<32x12800xf32, #tpu.memory_space<any>>
      %dma_wait3A_364 = arith.constant 0 : i32
      %dma_wait3A_365 = arith.constant 76800 : i32
      %dma_wait3A_366 = tpu.memref_slice %arg4[%rem3A_0, %dma_wait3A_364, %dma_wait3A_365] : memref<2x32x100000xf32, #tpu.memory_space<vmem>> -> memref<1x32x12800xf32, #tpu.memory_space<vmem>>
      %dma_wait3A_367 = tpu.memref_squeeze %dma_wait3A_366 : memref<1x32x12800xf32, #tpu.memory_space<vmem>> -> memref<32x12800xf32, #tpu.memory_space<vmem>>
      tpu.wait_dma2 semaphore(%dma_wait3A_360 : memref<!tpu.dma_semaphore, #tpu.memory_space<semaphore_mem>>) src(%dma_wait3A_367 : memref<32x12800xf32, #tpu.memory_space<vmem>>) dst(%dma_wait3A_363 : memref<32x12800xf32, #tpu.memory_space<any>>)
    } else {
    }
    %get3A_128 = arith.constant 0 : index
    %get3A_129 = arith.constant 76800 : index
    %get3A_130 = vector.load %arg2[%get3A_128, %get3A_129] : memref<32x100000xf32, #tpu.memory_space<vmem>>, vector<32x12800xf32>
    %dot_general3A_131 = arith.constant dense<0.000000e+00> : vector<32x12800xf32>
    %dot_general3A_132 = tpu.matmul %get3A_3, %get3A_130, %dot_general3A_131 {dimension_numbers = #tpu.dot_dimension_numbers<[1], [0], [0], [1], [0, 0, 1, 1], [], []>, transpose_lhs_hint = false} : vector<32x32xf32>, vector<32x12800xf32>, vector<32x12800xf32> -> vector<32x12800xf32>
    %swap3A_133 = arith.index_cast %rem3A_0 : i32 to index
    %swap3A_134 = arith.constant 0 : index
    %swap3A_135 = arith.constant 76800 : index
    %swap3A_136 = vector.load %arg4[%swap3A_133, %swap3A_134, %swap3A_135] : memref<2x32x100000xf32, #tpu.memory_space<vmem>>, vector<1x32x12800xf32>
    %swap3A_137 = vector.shape_cast %swap3A_136 : vector<1x32x12800xf32> to vector<32x12800xf32>
    %swap3A_138 = vector.shape_cast %dot_general3A_132 : vector<32x12800xf32> to vector<1x32x12800xf32>
    tpu.vector_store %arg4[%swap3A_133, %swap3A_134, %swap3A_135], %swap3A_138 {strides = array<i32>} : memref<2x32x100000xf32, #tpu.memory_space<vmem>>, vector<1x32x12800xf32>,
    %exp3A_139 = math.exp %dot_general3A_132 : vector<32x12800xf32>
    %reduce_sum3A_140 = arith.constant dense<0.000000e+00> : vector<32xf32>
    %reduce_sum3A_141 = vector.multi_reduction <add>, %exp3A_139, %reduce_sum3A_140 [1] : vector<32x12800xf32> to vector<32xf32>
    %broadcast_in_dim3A_142 = vector.shape_cast %reduce_sum3A_141 : vector<32xf32> to vector<32x1xf32>
    %add3A_143 = arith.addf %add3A_122, %broadcast_in_dim3A_142 : vector<32x1xf32>
    %ge3A_144 = arith.constant 2 : i32
    %ge3A_145 = arith.cmpi sge, %arg0, %ge3A_144 : i32
    %convert_element_type3A_146 = arith.extui %ge3A_145 : i1 to i32
    %cond3A_147 = arith.constant 0 : i32
    %cond3A_148 = arith.cmpi ne, %convert_element_type3A_146, %cond3A_147 : i32
    scf.if %cond3A_148 {
      %dma_wait3A = arith.constant 7 : i32
      %dma_wait3A_359 = tpu.memref_slice %arg5[%rem3A_0, %dma_wait3A] : memref<2x8x!tpu.dma_semaphore, #tpu.memory_space<semaphore_mem>> -> memref<1x1x!tpu.dma_semaphore, #tpu.memory_space<semaphore_mem>>
      %dma_wait3A_360 = tpu.memref_squeeze %dma_wait3A_359 : memref<1x1x!tpu.dma_semaphore, #tpu.memory_space<semaphore_mem>> -> memref<!tpu.dma_semaphore, #tpu.memory_space<semaphore_mem>>
      %dma_wait3A_361 = arith.constant 0 : i32
      %dma_wait3A_362 = arith.constant 89600 : i32
      %dma_wait3A_363 = tpu.memref_slice %arg3[%dma_wait3A_361, %dma_wait3A_362] : memref<1024x100000xf32, #tpu.memory_space<any>> -> memref<32x10400xf32, #tpu.memory_space<any>>
      %dma_wait3A_364 = arith.constant 0 : i32
      %dma_wait3A_365 = arith.constant 89600 : i32
      %dma_wait3A_366 = tpu.memref_slice %arg4[%rem3A_0, %dma_wait3A_364, %dma_wait3A_365] : memref<2x32x100000xf32, #tpu.memory_space<vmem>> -> memref<1x32x10400xf32, #tpu.memory_space<vmem>>
      %dma_wait3A_367 = tpu.memref_squeeze %dma_wait3A_366 : memref<1x32x10400xf32, #tpu.memory_space<vmem>> -> memref<32x10400xf32, #tpu.memory_space<vmem>>
      tpu.wait_dma2 semaphore(%dma_wait3A_360 : memref<!tpu.dma_semaphore, #tpu.memory_space<semaphore_mem>>) src(%dma_wait3A_367 : memref<32x10400xf32, #tpu.memory_space<vmem>>) dst(%dma_wait3A_363 : memref<32x10400xf32, #tpu.memory_space<any>>)
    } else {
    }
    %get3A_149 = arith.constant 0 : index
    %get3A_150 = arith.constant 89600 : index
    %get3A_151 = vector.load %arg2[%get3A_149, %get3A_150] : memref<32x100000xf32, #tpu.memory_space<vmem>>, vector<32x10400xf32>
    %dot_general3A_152 = arith.constant dense<0.000000e+00> : vector<32x10400xf32>
    %dot_general3A_153 = tpu.matmul %get3A_3, %get3A_151, %dot_general3A_152 {dimension_numbers = #tpu.dot_dimension_numbers<[1], [0], [0], [1], [0, 0, 1, 1], [], []>, transpose_lhs_hint = false} : vector<32x32xf32>, vector<32x10400xf32>, vector<32x10400xf32> -> vector<32x10400xf32>
    %swap3A_154 = arith.index_cast %rem3A_0 : i32 to index
    %swap3A_155 = arith.constant 0 : index
    %swap3A_156 = arith.constant 89600 : index
    %swap3A_157 = vector.load %arg4[%swap3A_154, %swap3A_155, %swap3A_156] : memref<2x32x100000xf32, #tpu.memory_space<vmem>>, vector<1x32x10400xf32>
    %swap3A_158 = vector.shape_cast %swap3A_157 : vector<1x32x10400xf32> to vector<32x10400xf32>
    %swap3A_159 = vector.shape_cast %dot_general3A_153 : vector<32x10400xf32> to vector<1x32x10400xf32>
    tpu.vector_store %arg4[%swap3A_154, %swap3A_155, %swap3A_156], %swap3A_159 {strides = array<i32>} : memref<2x32x100000xf32, #tpu.memory_space<vmem>>, vector<1x32x10400xf32>,
    %exp3A_160 = math.exp %dot_general3A_153 : vector<32x10400xf32>
    %reduce_sum3A_161 = arith.constant dense<0.000000e+00> : vector<32xf32>
    %reduce_sum3A_162 = vector.multi_reduction <add>, %exp3A_160, %reduce_sum3A_161 [1] : vector<32x10400xf32> to vector<32xf32>
    %broadcast_in_dim3A_163 = vector.shape_cast %reduce_sum3A_162 : vector<32xf32> to vector<32x1xf32>
    %add3A_164 = arith.addf %add3A_143, %broadcast_in_dim3A_163 : vector<32x1xf32>
    %log3A = math.log %add3A_164 : vector<32x1xf32>
    %get3A_165 = arith.index_cast %rem3A_0 : i32 to index
    %get3A_166 = arith.constant 0 : index
    %get3A_167 = arith.constant 0 : index
    %get3A_168 = vector.load %arg4[%get3A_165, %get3A_166, %get3A_167] : memref<2x32x100000xf32, #tpu.memory_space<vmem>>, vector<1x32x12800xf32>
    %get3A_169 = vector.shape_cast %get3A_168 : vector<1x32x12800xf32> to vector<32x12800xf32>
    %sub3A = vector.broadcast %log3A : vector<32x1xf32> to vector<32x12800xf32>
    %sub3A_170 = arith.subf %get3A_169, %sub3A : vector<32x12800xf32>
    %swap3A_171 = arith.index_cast %rem3A_0 : i32 to index
    %swap3A_172 = arith.constant 0 : index
    %swap3A_173 = arith.constant 0 : index
    %swap3A_174 = vector.load %arg4[%swap3A_171, %swap3A_172, %swap3A_173] : memref<2x32x100000xf32, #tpu.memory_space<vmem>>, vector<1x32x12800xf32>
    %swap3A_175 = vector.shape_cast %swap3A_174 : vector<1x32x12800xf32> to vector<32x12800xf32>
    %swap3A_176 = vector.shape_cast %sub3A_170 : vector<32x12800xf32> to vector<1x32x12800xf32>
    tpu.vector_store %arg4[%swap3A_171, %swap3A_172, %swap3A_173], %swap3A_176 {strides = array<i32>} : memref<2x32x100000xf32, #tpu.memory_space<vmem>>, vector<1x32x12800xf32>,
    %mul3A_177 = arith.constant 32 : i32
    %mul3A_178 = arith.muli %arg0, %mul3A_177 : i32
    %dma_start3A = arith.constant 0 : i32
    %dma_start3A_179 = tpu.memref_slice %arg5[%rem3A_0, %dma_start3A] : memref<2x8x!tpu.dma_semaphore, #tpu.memory_space<semaphore_mem>> -> memref<1x1x!tpu.dma_semaphore, #tpu.memory_space<semaphore_mem>>
    %dma_start3A_180 = tpu.memref_squeeze %dma_start3A_179 : memref<1x1x!tpu.dma_semaphore, #tpu.memory_space<semaphore_mem>> -> memref<!tpu.dma_semaphore, #tpu.memory_space<semaphore_mem>>
    %dma_start3A_181 = arith.constant 0 : i32
    %dma_start3A_182 = tpu.memref_slice %arg3[%mul3A_178, %dma_start3A_181] : memref<1024x100000xf32, #tpu.memory_space<any>> -> memref<32x12800xf32, #tpu.memory_space<any>>
    %dma_start3A_183 = arith.constant 0 : i32
    %dma_start3A_184 = arith.constant 0 : i32
    %dma_start3A_185 = tpu.memref_slice %arg4[%rem3A_0, %dma_start3A_183, %dma_start3A_184] : memref<2x32x100000xf32, #tpu.memory_space<vmem>> -> memref<1x32x12800xf32, #tpu.memory_space<vmem>>
    %dma_start3A_186 = tpu.memref_squeeze %dma_start3A_185 : memref<1x32x12800xf32, #tpu.memory_space<vmem>> -> memref<32x12800xf32, #tpu.memory_space<vmem>>
    tpu.enqueue_dma source(%dma_start3A_186 : memref<32x12800xf32, #tpu.memory_space<vmem>>) target(%dma_start3A_182 : memref<32x12800xf32, #tpu.memory_space<any>>) target_semaphore(%dma_start3A_180 : memref<!tpu.dma_semaphore, #tpu.memory_space<semaphore_mem>>)
    %get3A_187 = arith.index_cast %rem3A_0 : i32 to index
    %get3A_188 = arith.constant 0 : index
    %get3A_189 = arith.constant 12800 : index
    %get3A_190 = vector.load %arg4[%get3A_187, %get3A_188, %get3A_189] : memref<2x32x100000xf32, #tpu.memory_space<vmem>>, vector<1x32x12800xf32>
    %get3A_191 = vector.shape_cast %get3A_190 : vector<1x32x12800xf32> to vector<32x12800xf32>
    %sub3A_192 = vector.broadcast %log3A : vector<32x1xf32> to vector<32x12800xf32>
    %sub3A_193 = arith.subf %get3A_191, %sub3A_192 : vector<32x12800xf32>
    %swap3A_194 = arith.index_cast %rem3A_0 : i32 to index
    %swap3A_195 = arith.constant 0 : index
    %swap3A_196 = arith.constant 12800 : index
    %swap3A_197 = vector.load %arg4[%swap3A_194, %swap3A_195, %swap3A_196] : memref<2x32x100000xf32, #tpu.memory_space<vmem>>, vector<1x32x12800xf32>
    %swap3A_198 = vector.shape_cast %swap3A_197 : vector<1x32x12800xf32> to vector<32x12800xf32>
    %swap3A_199 = vector.shape_cast %sub3A_193 : vector<32x12800xf32> to vector<1x32x12800xf32>
    tpu.vector_store %arg4[%swap3A_194, %swap3A_195, %swap3A_196], %swap3A_199 {strides = array<i32>} : memref<2x32x100000xf32, #tpu.memory_space<vmem>>, vector<1x32x12800xf32>,
    %mul3A_200 = arith.constant 32 : i32
    %mul3A_201 = arith.muli %arg0, %mul3A_200 : i32
    %dma_start3A_202 = arith.constant 1 : i32
    %dma_start3A_203 = tpu.memref_slice %arg5[%rem3A_0, %dma_start3A_202] : memref<2x8x!tpu.dma_semaphore, #tpu.memory_space<semaphore_mem>> -> memref<1x1x!tpu.dma_semaphore, #tpu.memory_space<semaphore_mem>>
    %dma_start3A_204 = tpu.memref_squeeze %dma_start3A_203 : memref<1x1x!tpu.dma_semaphore, #tpu.memory_space<semaphore_mem>> -> memref<!tpu.dma_semaphore, #tpu.memory_space<semaphore_mem>>
    %dma_start3A_205 = arith.constant 12800 : i32
    %dma_start3A_206 = tpu.memref_slice %arg3[%mul3A_201, %dma_start3A_205] : memref<1024x100000xf32, #tpu.memory_space<any>> -> memref<32x12800xf32, #tpu.memory_space<any>>
    %dma_start3A_207 = arith.constant 0 : i32
    %dma_start3A_208 = arith.constant 12800 : i32
    %dma_start3A_209 = tpu.memref_slice %arg4[%rem3A_0, %dma_start3A_207, %dma_start3A_208] : memref<2x32x100000xf32, #tpu.memory_space<vmem>> -> memref<1x32x12800xf32, #tpu.memory_space<vmem>>
    %dma_start3A_210 = tpu.memref_squeeze %dma_start3A_209 : memref<1x32x12800xf32, #tpu.memory_space<vmem>> -> memref<32x12800xf32, #tpu.memory_space<vmem>>
    tpu.enqueue_dma source(%dma_start3A_210 : memref<32x12800xf32, #tpu.memory_space<vmem>>) target(%dma_start3A_206 : memref<32x12800xf32, #tpu.memory_space<any>>) target_semaphore(%dma_start3A_204 : memref<!tpu.dma_semaphore, #tpu.memory_space<semaphore_mem>>)
    %get3A_211 = arith.index_cast %rem3A_0 : i32 to index
    %get3A_212 = arith.constant 0 : index
    %get3A_213 = arith.constant 25600 : index
    %get3A_214 = vector.load %arg4[%get3A_211, %get3A_212, %get3A_213] : memref<2x32x100000xf32, #tpu.memory_space<vmem>>, vector<1x32x12800xf32>
    %get3A_215 = vector.shape_cast %get3A_214 : vector<1x32x12800xf32> to vector<32x12800xf32>
    %sub3A_216 = vector.broadcast %log3A : vector<32x1xf32> to vector<32x12800xf32>
    %sub3A_217 = arith.subf %get3A_215, %sub3A_216 : vector<32x12800xf32>
    %swap3A_218 = arith.index_cast %rem3A_0 : i32 to index
    %swap3A_219 = arith.constant 0 : index
    %swap3A_220 = arith.constant 25600 : index
    %swap3A_221 = vector.load %arg4[%swap3A_218, %swap3A_219, %swap3A_220] : memref<2x32x100000xf32, #tpu.memory_space<vmem>>, vector<1x32x12800xf32>
    %swap3A_222 = vector.shape_cast %swap3A_221 : vector<1x32x12800xf32> to vector<32x12800xf32>
    %swap3A_223 = vector.shape_cast %sub3A_217 : vector<32x12800xf32> to vector<1x32x12800xf32>
    tpu.vector_store %arg4[%swap3A_218, %swap3A_219, %swap3A_220], %swap3A_223 {strides = array<i32>} : memref<2x32x100000xf32, #tpu.memory_space<vmem>>, vector<1x32x12800xf32>,
    %mul3A_224 = arith.constant 32 : i32
    %mul3A_225 = arith.muli %arg0, %mul3A_224 : i32
    %dma_start3A_226 = arith.constant 2 : i32
    %dma_start3A_227 = tpu.memref_slice %arg5[%rem3A_0, %dma_start3A_226] : memref<2x8x!tpu.dma_semaphore, #tpu.memory_space<semaphore_mem>> -> memref<1x1x!tpu.dma_semaphore, #tpu.memory_space<semaphore_mem>>
    %dma_start3A_228 = tpu.memref_squeeze %dma_start3A_227 : memref<1x1x!tpu.dma_semaphore, #tpu.memory_space<semaphore_mem>> -> memref<!tpu.dma_semaphore, #tpu.memory_space<semaphore_mem>>
    %dma_start3A_229 = arith.constant 25600 : i32
    %dma_start3A_230 = tpu.memref_slice %arg3[%mul3A_225, %dma_start3A_229] : memref<1024x100000xf32, #tpu.memory_space<any>> -> memref<32x12800xf32, #tpu.memory_space<any>>
    %dma_start3A_231 = arith.constant 0 : i32
    %dma_start3A_232 = arith.constant 25600 : i32
    %dma_start3A_233 = tpu.memref_slice %arg4[%rem3A_0, %dma_start3A_231, %dma_start3A_232] : memref<2x32x100000xf32, #tpu.memory_space<vmem>> -> memref<1x32x12800xf32, #tpu.memory_space<vmem>>
    %dma_start3A_234 = tpu.memref_squeeze %dma_start3A_233 : memref<1x32x12800xf32, #tpu.memory_space<vmem>> -> memref<32x12800xf32, #tpu.memory_space<vmem>>
    tpu.enqueue_dma source(%dma_start3A_234 : memref<32x12800xf32, #tpu.memory_space<vmem>>) target(%dma_start3A_230 : memref<32x12800xf32, #tpu.memory_space<any>>) target_semaphore(%dma_start3A_228 : memref<!tpu.dma_semaphore, #tpu.memory_space<semaphore_mem>>)
    %get3A_235 = arith.index_cast %rem3A_0 : i32 to index
    %get3A_236 = arith.constant 0 : index
    %get3A_237 = arith.constant 38400 : index
    %get3A_238 = vector.load %arg4[%get3A_235, %get3A_236, %get3A_237] : memref<2x32x100000xf32, #tpu.memory_space<vmem>>, vector<1x32x12800xf32>
    %get3A_239 = vector.shape_cast %get3A_238 : vector<1x32x12800xf32> to vector<32x12800xf32>
    %sub3A_240 = vector.broadcast %log3A : vector<32x1xf32> to vector<32x12800xf32>
    %sub3A_241 = arith.subf %get3A_239, %sub3A_240 : vector<32x12800xf32>
    %swap3A_242 = arith.index_cast %rem3A_0 : i32 to index
    %swap3A_243 = arith.constant 0 : index
    %swap3A_244 = arith.constant 38400 : index
    %swap3A_245 = vector.load %arg4[%swap3A_242, %swap3A_243, %swap3A_244] : memref<2x32x100000xf32, #tpu.memory_space<vmem>>, vector<1x32x12800xf32>
    %swap3A_246 = vector.shape_cast %swap3A_245 : vector<1x32x12800xf32> to vector<32x12800xf32>
    %swap3A_247 = vector.shape_cast %sub3A_241 : vector<32x12800xf32> to vector<1x32x12800xf32>
    tpu.vector_store %arg4[%swap3A_242, %swap3A_243, %swap3A_244], %swap3A_247 {strides = array<i32>} : memref<2x32x100000xf32, #tpu.memory_space<vmem>>, vector<1x32x12800xf32>,
    %mul3A_248 = arith.constant 32 : i32
    %mul3A_249 = arith.muli %arg0, %mul3A_248 : i32
    %dma_start3A_250 = arith.constant 3 : i32
    %dma_start3A_251 = tpu.memref_slice %arg5[%rem3A_0, %dma_start3A_250] : memref<2x8x!tpu.dma_semaphore, #tpu.memory_space<semaphore_mem>> -> memref<1x1x!tpu.dma_semaphore, #tpu.memory_space<semaphore_mem>>
    %dma_start3A_252 = tpu.memref_squeeze %dma_start3A_251 : memref<1x1x!tpu.dma_semaphore, #tpu.memory_space<semaphore_mem>> -> memref<!tpu.dma_semaphore, #tpu.memory_space<semaphore_mem>>
    %dma_start3A_253 = arith.constant 38400 : i32
    %dma_start3A_254 = tpu.memref_slice %arg3[%mul3A_249, %dma_start3A_253] : memref<1024x100000xf32, #tpu.memory_space<any>> -> memref<32x12800xf32, #tpu.memory_space<any>>
    %dma_start3A_255 = arith.constant 0 : i32
    %dma_start3A_256 = arith.constant 38400 : i32
    %dma_start3A_257 = tpu.memref_slice %arg4[%rem3A_0, %dma_start3A_255, %dma_start3A_256] : memref<2x32x100000xf32, #tpu.memory_space<vmem>> -> memref<1x32x12800xf32, #tpu.memory_space<vmem>>
    %dma_start3A_258 = tpu.memref_squeeze %dma_start3A_257 : memref<1x32x12800xf32, #tpu.memory_space<vmem>> -> memref<32x12800xf32, #tpu.memory_space<vmem>>
    tpu.enqueue_dma source(%dma_start3A_258 : memref<32x12800xf32, #tpu.memory_space<vmem>>) target(%dma_start3A_254 : memref<32x12800xf32, #tpu.memory_space<any>>) target_semaphore(%dma_start3A_252 : memref<!tpu.dma_semaphore, #tpu.memory_space<semaphore_mem>>)
    %get3A_259 = arith.index_cast %rem3A_0 : i32 to index
    %get3A_260 = arith.constant 0 : index
    %get3A_261 = arith.constant 51200 : index
    %get3A_262 = vector.load %arg4[%get3A_259, %get3A_260, %get3A_261] : memref<2x32x100000xf32, #tpu.memory_space<vmem>>, vector<1x32x12800xf32>
    %get3A_263 = vector.shape_cast %get3A_262 : vector<1x32x12800xf32> to vector<32x12800xf32>
    %sub3A_264 = vector.broadcast %log3A : vector<32x1xf32> to vector<32x12800xf32>
    %sub3A_265 = arith.subf %get3A_263, %sub3A_264 : vector<32x12800xf32>
    %swap3A_266 = arith.index_cast %rem3A_0 : i32 to index
    %swap3A_267 = arith.constant 0 : index
    %swap3A_268 = arith.constant 51200 : index
    %swap3A_269 = vector.load %arg4[%swap3A_266, %swap3A_267, %swap3A_268] : memref<2x32x100000xf32, #tpu.memory_space<vmem>>, vector<1x32x12800xf32>
    %swap3A_270 = vector.shape_cast %swap3A_269 : vector<1x32x12800xf32> to vector<32x12800xf32>
    %swap3A_271 = vector.shape_cast %sub3A_265 : vector<32x12800xf32> to vector<1x32x12800xf32>
    tpu.vector_store %arg4[%swap3A_266, %swap3A_267, %swap3A_268], %swap3A_271 {strides = array<i32>} : memref<2x32x100000xf32, #tpu.memory_space<vmem>>, vector<1x32x12800xf32>,
    %mul3A_272 = arith.constant 32 : i32
    %mul3A_273 = arith.muli %arg0, %mul3A_272 : i32
    %dma_start3A_274 = arith.constant 4 : i32
    %dma_start3A_275 = tpu.memref_slice %arg5[%rem3A_0, %dma_start3A_274] : memref<2x8x!tpu.dma_semaphore, #tpu.memory_space<semaphore_mem>> -> memref<1x1x!tpu.dma_semaphore, #tpu.memory_space<semaphore_mem>>
    %dma_start3A_276 = tpu.memref_squeeze %dma_start3A_275 : memref<1x1x!tpu.dma_semaphore, #tpu.memory_space<semaphore_mem>> -> memref<!tpu.dma_semaphore, #tpu.memory_space<semaphore_mem>>
    %dma_start3A_277 = arith.constant 51200 : i32
    %dma_start3A_278 = tpu.memref_slice %arg3[%mul3A_273, %dma_start3A_277] : memref<1024x100000xf32, #tpu.memory_space<any>> -> memref<32x12800xf32, #tpu.memory_space<any>>
    %dma_start3A_279 = arith.constant 0 : i32
    %dma_start3A_280 = arith.constant 51200 : i32
    %dma_start3A_281 = tpu.memref_slice %arg4[%rem3A_0, %dma_start3A_279, %dma_start3A_280] : memref<2x32x100000xf32, #tpu.memory_space<vmem>> -> memref<1x32x12800xf32, #tpu.memory_space<vmem>>
    %dma_start3A_282 = tpu.memref_squeeze %dma_start3A_281 : memref<1x32x12800xf32, #tpu.memory_space<vmem>> -> memref<32x12800xf32, #tpu.memory_space<vmem>>
    tpu.enqueue_dma source(%dma_start3A_282 : memref<32x12800xf32, #tpu.memory_space<vmem>>) target(%dma_start3A_278 : memref<32x12800xf32, #tpu.memory_space<any>>) target_semaphore(%dma_start3A_276 : memref<!tpu.dma_semaphore, #tpu.memory_space<semaphore_mem>>)
    %get3A_283 = arith.index_cast %rem3A_0 : i32 to index
    %get3A_284 = arith.constant 0 : index
    %get3A_285 = arith.constant 64000 : index
    %get3A_286 = vector.load %arg4[%get3A_283, %get3A_284, %get3A_285] : memref<2x32x100000xf32, #tpu.memory_space<vmem>>, vector<1x32x12800xf32>
    %get3A_287 = vector.shape_cast %get3A_286 : vector<1x32x12800xf32> to vector<32x12800xf32>
    %sub3A_288 = vector.broadcast %log3A : vector<32x1xf32> to vector<32x12800xf32>
    %sub3A_289 = arith.subf %get3A_287, %sub3A_288 : vector<32x12800xf32>
    %swap3A_290 = arith.index_cast %rem3A_0 : i32 to index
    %swap3A_291 = arith.constant 0 : index
    %swap3A_292 = arith.constant 64000 : index
    %swap3A_293 = vector.load %arg4[%swap3A_290, %swap3A_291, %swap3A_292] : memref<2x32x100000xf32, #tpu.memory_space<vmem>>, vector<1x32x12800xf32>
    %swap3A_294 = vector.shape_cast %swap3A_293 : vector<1x32x12800xf32> to vector<32x12800xf32>
    %swap3A_295 = vector.shape_cast %sub3A_289 : vector<32x12800xf32> to vector<1x32x12800xf32>
    tpu.vector_store %arg4[%swap3A_290, %swap3A_291, %swap3A_292], %swap3A_295 {strides = array<i32>} : memref<2x32x100000xf32, #tpu.memory_space<vmem>>, vector<1x32x12800xf32>,
    %mul3A_296 = arith.constant 32 : i32
    %mul3A_297 = arith.muli %arg0, %mul3A_296 : i32
    %dma_start3A_298 = arith.constant 5 : i32
    %dma_start3A_299 = tpu.memref_slice %arg5[%rem3A_0, %dma_start3A_298] : memref<2x8x!tpu.dma_semaphore, #tpu.memory_space<semaphore_mem>> -> memref<1x1x!tpu.dma_semaphore, #tpu.memory_space<semaphore_mem>>
    %dma_start3A_300 = tpu.memref_squeeze %dma_start3A_299 : memref<1x1x!tpu.dma_semaphore, #tpu.memory_space<semaphore_mem>> -> memref<!tpu.dma_semaphore, #tpu.memory_space<semaphore_mem>>
    %dma_start3A_301 = arith.constant 64000 : i32
    %dma_start3A_302 = tpu.memref_slice %arg3[%mul3A_297, %dma_start3A_301] : memref<1024x100000xf32, #tpu.memory_space<any>> -> memref<32x12800xf32, #tpu.memory_space<any>>
    %dma_start3A_303 = arith.constant 0 : i32
    %dma_start3A_304 = arith.constant 64000 : i32
    %dma_start3A_305 = tpu.memref_slice %arg4[%rem3A_0, %dma_start3A_303, %dma_start3A_304] : memref<2x32x100000xf32, #tpu.memory_space<vmem>> -> memref<1x32x12800xf32, #tpu.memory_space<vmem>>
    %dma_start3A_306 = tpu.memref_squeeze %dma_start3A_305 : memref<1x32x12800xf32, #tpu.memory_space<vmem>> -> memref<32x12800xf32, #tpu.memory_space<vmem>>
    tpu.enqueue_dma source(%dma_start3A_306 : memref<32x12800xf32, #tpu.memory_space<vmem>>) target(%dma_start3A_302 : memref<32x12800xf32, #tpu.memory_space<any>>) target_semaphore(%dma_start3A_300 : memref<!tpu.dma_semaphore, #tpu.memory_space<semaphore_mem>>)
    %get3A_307 = arith.index_cast %rem3A_0 : i32 to index
    %get3A_308 = arith.constant 0 : index
    %get3A_309 = arith.constant 76800 : index
    %get3A_310 = vector.load %arg4[%get3A_307, %get3A_308, %get3A_309] : memref<2x32x100000xf32, #tpu.memory_space<vmem>>, vector<1x32x12800xf32>
    %get3A_311 = vector.shape_cast %get3A_310 : vector<1x32x12800xf32> to vector<32x12800xf32>
    %sub3A_312 = vector.broadcast %log3A : vector<32x1xf32> to vector<32x12800xf32>
    %sub3A_313 = arith.subf %get3A_311, %sub3A_312 : vector<32x12800xf32>
    %swap3A_314 = arith.index_cast %rem3A_0 : i32 to index
    %swap3A_315 = arith.constant 0 : index
    %swap3A_316 = arith.constant 76800 : index
    %swap3A_317 = vector.load %arg4[%swap3A_314, %swap3A_315, %swap3A_316] : memref<2x32x100000xf32, #tpu.memory_space<vmem>>, vector<1x32x12800xf32>
    %swap3A_318 = vector.shape_cast %swap3A_317 : vector<1x32x12800xf32> to vector<32x12800xf32>
    %swap3A_319 = vector.shape_cast %sub3A_313 : vector<32x12800xf32> to vector<1x32x12800xf32>
    tpu.vector_store %arg4[%swap3A_314, %swap3A_315, %swap3A_316], %swap3A_319 {strides = array<i32>} : memref<2x32x100000xf32, #tpu.memory_space<vmem>>, vector<1x32x12800xf32>,
    %mul3A_320 = arith.constant 32 : i32
    %mul3A_321 = arith.muli %arg0, %mul3A_320 : i32
    %dma_start3A_322 = arith.constant 6 : i32
    %dma_start3A_323 = tpu.memref_slice %arg5[%rem3A_0, %dma_start3A_322] : memref<2x8x!tpu.dma_semaphore, #tpu.memory_space<semaphore_mem>> -> memref<1x1x!tpu.dma_semaphore, #tpu.memory_space<semaphore_mem>>
    %dma_start3A_324 = tpu.memref_squeeze %dma_start3A_323 : memref<1x1x!tpu.dma_semaphore, #tpu.memory_space<semaphore_mem>> -> memref<!tpu.dma_semaphore, #tpu.memory_space<semaphore_mem>>
    %dma_start3A_325 = arith.constant 76800 : i32
    %dma_start3A_326 = tpu.memref_slice %arg3[%mul3A_321, %dma_start3A_325] : memref<1024x100000xf32, #tpu.memory_space<any>> -> memref<32x12800xf32, #tpu.memory_space<any>>
    %dma_start3A_327 = arith.constant 0 : i32
    %dma_start3A_328 = arith.constant 76800 : i32
    %dma_start3A_329 = tpu.memref_slice %arg4[%rem3A_0, %dma_start3A_327, %dma_start3A_328] : memref<2x32x100000xf32, #tpu.memory_space<vmem>> -> memref<1x32x12800xf32, #tpu.memory_space<vmem>>
    %dma_start3A_330 = tpu.memref_squeeze %dma_start3A_329 : memref<1x32x12800xf32, #tpu.memory_space<vmem>> -> memref<32x12800xf32, #tpu.memory_space<vmem>>
    tpu.enqueue_dma source(%dma_start3A_330 : memref<32x12800xf32, #tpu.memory_space<vmem>>) target(%dma_start3A_326 : memref<32x12800xf32, #tpu.memory_space<any>>) target_semaphore(%dma_start3A_324 : memref<!tpu.dma_semaphore, #tpu.memory_space<semaphore_mem>>)
    %get3A_331 = arith.index_cast %rem3A_0 : i32 to index
    %get3A_332 = arith.constant 0 : index
    %get3A_333 = arith.constant 89600 : index
    %get3A_334 = vector.load %arg4[%get3A_331, %get3A_332, %get3A_333] : memref<2x32x100000xf32, #tpu.memory_space<vmem>>, vector<1x32x10400xf32>
    %get3A_335 = vector.shape_cast %get3A_334 : vector<1x32x10400xf32> to vector<32x10400xf32>
    %sub3A_336 = vector.broadcast %log3A : vector<32x1xf32> to vector<32x10400xf32>
    %sub3A_337 = arith.subf %get3A_335, %sub3A_336 : vector<32x10400xf32>
    %swap3A_338 = arith.index_cast %rem3A_0 : i32 to index
    %swap3A_339 = arith.constant 0 : index
    %swap3A_340 = arith.constant 89600 : index
    %swap3A_341 = vector.load %arg4[%swap3A_338, %swap3A_339, %swap3A_340] : memref<2x32x100000xf32, #tpu.memory_space<vmem>>, vector<1x32x10400xf32>
    %swap3A_342 = vector.shape_cast %swap3A_341 : vector<1x32x10400xf32> to vector<32x10400xf32>
    %swap3A_343 = vector.shape_cast %sub3A_337 : vector<32x10400xf32> to vector<1x32x10400xf32>
    tpu.vector_store %arg4[%swap3A_338, %swap3A_339, %swap3A_340], %swap3A_343 {strides = array<i32>} : memref<2x32x100000xf32, #tpu.memory_space<vmem>>, vector<1x32x10400xf32>,
    %mul3A_344 = arith.constant 32 : i32
    %mul3A_345 = arith.muli %arg0, %mul3A_344 : i32
    %dma_start3A_346 = arith.constant 7 : i32
    %dma_start3A_347 = tpu.memref_slice %arg5[%rem3A_0, %dma_start3A_346] : memref<2x8x!tpu.dma_semaphore, #tpu.memory_space<semaphore_mem>> -> memref<1x1x!tpu.dma_semaphore, #tpu.memory_space<semaphore_mem>>
    %dma_start3A_348 = tpu.memref_squeeze %dma_start3A_347 : memref<1x1x!tpu.dma_semaphore, #tpu.memory_space<semaphore_mem>> -> memref<!tpu.dma_semaphore, #tpu.memory_space<semaphore_mem>>
    %dma_start3A_349 = arith.constant 89600 : i32
    %dma_start3A_350 = tpu.memref_slice %arg3[%mul3A_345, %dma_start3A_349] : memref<1024x100000xf32, #tpu.memory_space<any>> -> memref<32x10400xf32, #tpu.memory_space<any>>
    %dma_start3A_351 = arith.constant 0 : i32
    %dma_start3A_352 = arith.constant 89600 : i32
    %dma_start3A_353 = tpu.memref_slice %arg4[%rem3A_0, %dma_start3A_351, %dma_start3A_352] : memref<2x32x100000xf32, #tpu.memory_space<vmem>> -> memref<1x32x10400xf32, #tpu.memory_space<vmem>>
    %dma_start3A_354 = tpu.memref_squeeze %dma_start3A_353 : memref<1x32x10400xf32, #tpu.memory_space<vmem>> -> memref<32x10400xf32, #tpu.memory_space<vmem>>
    tpu.enqueue_dma source(%dma_start3A_354 : memref<32x10400xf32, #tpu.memory_space<vmem>>) target(%dma_start3A_350 : memref<32x10400xf32, #tpu.memory_space<any>>) target_semaphore(%dma_start3A_348 : memref<!tpu.dma_semaphore, #tpu.memory_space<semaphore_mem>>)
    %eq3A = arith.constant 31 : i32
    %eq3A_355 = arith.cmpi eq, %arg0, %eq3A : i32
    %convert_element_type3A_356 = arith.extui %eq3A_355 : i1 to i32
    %cond3A_357 = arith.constant 0 : i32
    %cond3A_358 = arith.cmpi ne, %convert_element_type3A_356, %cond3A_357 : i32
    scf.if %cond3A_358 {
      %dma_wait3A = arith.constant 0 : i32
      %dma_wait3A_359 = arith.constant 0 : i32
      %dma_wait3A_360 = arith.constant 0 : i32
      %dma_wait3A_361 = tpu.memref_slice %arg5[%dma_wait3A_359, %dma_wait3A_360] : memref<2x8x!tpu.dma_semaphore, #tpu.memory_space<semaphore_mem>> -> memref<1x1x!tpu.dma_semaphore, #tpu.memory_space<semaphore_mem>>
      %dma_wait3A_362 = tpu.memref_squeeze %dma_wait3A_361 : memref<1x1x!tpu.dma_semaphore, #tpu.memory_space<semaphore_mem>> -> memref<!tpu.dma_semaphore, #tpu.memory_space<semaphore_mem>>
      %dma_wait3A_363 = arith.constant 0 : i32
      %dma_wait3A_364 = arith.constant 0 : i32
      %dma_wait3A_365 = tpu.memref_slice %arg3[%dma_wait3A_363, %dma_wait3A_364] : memref<1024x100000xf32, #tpu.memory_space<any>> -> memref<32x12800xf32, #tpu.memory_space<any>>
      %dma_wait3A_366 = arith.constant 0 : i32
      %dma_wait3A_367 = arith.constant 0 : i32
      %dma_wait3A_368 = tpu.memref_slice %arg4[%dma_wait3A, %dma_wait3A_366, %dma_wait3A_367] : memref<2x32x100000xf32, #tpu.memory_space<vmem>> -> memref<1x32x12800xf32, #tpu.memory_space<vmem>>
      %dma_wait3A_369 = tpu.memref_squeeze %dma_wait3A_368 : memref<1x32x12800xf32, #tpu.memory_space<vmem>> -> memref<32x12800xf32, #tpu.memory_space<vmem>>
      tpu.wait_dma2 semaphore(%dma_wait3A_362 : memref<!tpu.dma_semaphore, #tpu.memory_space<semaphore_mem>>) src(%dma_wait3A_369 : memref<32x12800xf32, #tpu.memory_space<vmem>>) dst(%dma_wait3A_365 : memref<32x12800xf32, #tpu.memory_space<any>>)
      %dma_wait3A_370 = arith.constant 0 : i32
      %dma_wait3A_371 = arith.constant 0 : i32
      %dma_wait3A_372 = arith.constant 1 : i32
      %dma_wait3A_373 = tpu.memref_slice %arg5[%dma_wait3A_371, %dma_wait3A_372] : memref<2x8x!tpu.dma_semaphore, #tpu.memory_space<semaphore_mem>> -> memref<1x1x!tpu.dma_semaphore, #tpu.memory_space<semaphore_mem>>
      %dma_wait3A_374 = tpu.memref_squeeze %dma_wait3A_373 : memref<1x1x!tpu.dma_semaphore, #tpu.memory_space<semaphore_mem>> -> memref<!tpu.dma_semaphore, #tpu.memory_space<semaphore_mem>>
      %dma_wait3A_375 = arith.constant 0 : i32
      %dma_wait3A_376 = arith.constant 12800 : i32
      %dma_wait3A_377 = tpu.memref_slice %arg3[%dma_wait3A_375, %dma_wait3A_376] : memref<1024x100000xf32, #tpu.memory_space<any>> -> memref<32x12800xf32, #tpu.memory_space<any>>
      %dma_wait3A_378 = arith.constant 0 : i32
      %dma_wait3A_379 = arith.constant 12800 : i32
      %dma_wait3A_380 = tpu.memref_slice %arg4[%dma_wait3A_370, %dma_wait3A_378, %dma_wait3A_379] : memref<2x32x100000xf32, #tpu.memory_space<vmem>> -> memref<1x32x12800xf32, #tpu.memory_space<vmem>>
      %dma_wait3A_381 = tpu.memref_squeeze %dma_wait3A_380 : memref<1x32x12800xf32, #tpu.memory_space<vmem>> -> memref<32x12800xf32, #tpu.memory_space<vmem>>
      tpu.wait_dma2 semaphore(%dma_wait3A_374 : memref<!tpu.dma_semaphore, #tpu.memory_space<semaphore_mem>>) src(%dma_wait3A_381 : memref<32x12800xf32, #tpu.memory_space<vmem>>) dst(%dma_wait3A_377 : memref<32x12800xf32, #tpu.memory_space<any>>)
      %dma_wait3A_382 = arith.constant 0 : i32
      %dma_wait3A_383 = arith.constant 0 : i32
      %dma_wait3A_384 = arith.constant 2 : i32
      %dma_wait3A_385 = tpu.memref_slice %arg5[%dma_wait3A_383, %dma_wait3A_384] : memref<2x8x!tpu.dma_semaphore, #tpu.memory_space<semaphore_mem>> -> memref<1x1x!tpu.dma_semaphore, #tpu.memory_space<semaphore_mem>>
      %dma_wait3A_386 = tpu.memref_squeeze %dma_wait3A_385 : memref<1x1x!tpu.dma_semaphore, #tpu.memory_space<semaphore_mem>> -> memref<!tpu.dma_semaphore, #tpu.memory_space<semaphore_mem>>
      %dma_wait3A_387 = arith.constant 0 : i32
      %dma_wait3A_388 = arith.constant 25600 : i32
      %dma_wait3A_389 = tpu.memref_slice %arg3[%dma_wait3A_387, %dma_wait3A_388] : memref<1024x100000xf32, #tpu.memory_space<any>> -> memref<32x12800xf32, #tpu.memory_space<any>>
      %dma_wait3A_390 = arith.constant 0 : i32
      %dma_wait3A_391 = arith.constant 25600 : i32
      %dma_wait3A_392 = tpu.memref_slice %arg4[%dma_wait3A_382, %dma_wait3A_390, %dma_wait3A_391] : memref<2x32x100000xf32, #tpu.memory_space<vmem>> -> memref<1x32x12800xf32, #tpu.memory_space<vmem>>
      %dma_wait3A_393 = tpu.memref_squeeze %dma_wait3A_392 : memref<1x32x12800xf32, #tpu.memory_space<vmem>> -> memref<32x12800xf32, #tpu.memory_space<vmem>>
      tpu.wait_dma2 semaphore(%dma_wait3A_386 : memref<!tpu.dma_semaphore, #tpu.memory_space<semaphore_mem>>) src(%dma_wait3A_393 : memref<32x12800xf32, #tpu.memory_space<vmem>>) dst(%dma_wait3A_389 : memref<32x12800xf32, #tpu.memory_space<any>>)
      %dma_wait3A_394 = arith.constant 0 : i32
      %dma_wait3A_395 = arith.constant 0 : i32
      %dma_wait3A_396 = arith.constant 3 : i32
      %dma_wait3A_397 = tpu.memref_slice %arg5[%dma_wait3A_395, %dma_wait3A_396] : memref<2x8x!tpu.dma_semaphore, #tpu.memory_space<semaphore_mem>> -> memref<1x1x!tpu.dma_semaphore, #tpu.memory_space<semaphore_mem>>
      %dma_wait3A_398 = tpu.memref_squeeze %dma_wait3A_397 : memref<1x1x!tpu.dma_semaphore, #tpu.memory_space<semaphore_mem>> -> memref<!tpu.dma_semaphore, #tpu.memory_space<semaphore_mem>>
      %dma_wait3A_399 = arith.constant 0 : i32
      %dma_wait3A_400 = arith.constant 38400 : i32
      %dma_wait3A_401 = tpu.memref_slice %arg3[%dma_wait3A_399, %dma_wait3A_400] : memref<1024x100000xf32, #tpu.memory_space<any>> -> memref<32x12800xf32, #tpu.memory_space<any>>
      %dma_wait3A_402 = arith.constant 0 : i32
      %dma_wait3A_403 = arith.constant 38400 : i32
      %dma_wait3A_404 = tpu.memref_slice %arg4[%dma_wait3A_394, %dma_wait3A_402, %dma_wait3A_403] : memref<2x32x100000xf32, #tpu.memory_space<vmem>> -> memref<1x32x12800xf32, #tpu.memory_space<vmem>>
      %dma_wait3A_405 = tpu.memref_squeeze %dma_wait3A_404 : memref<1x32x12800xf32, #tpu.memory_space<vmem>> -> memref<32x12800xf32, #tpu.memory_space<vmem>>
      tpu.wait_dma2 semaphore(%dma_wait3A_398 : memref<!tpu.dma_semaphore, #tpu.memory_space<semaphore_mem>>) src(%dma_wait3A_405 : memref<32x12800xf32, #tpu.memory_space<vmem>>) dst(%dma_wait3A_401 : memref<32x12800xf32, #tpu.memory_space<any>>)
      %dma_wait3A_406 = arith.constant 0 : i32
      %dma_wait3A_407 = arith.constant 0 : i32
      %dma_wait3A_408 = arith.constant 4 : i32
      %dma_wait3A_409 = tpu.memref_slice %arg5[%dma_wait3A_407, %dma_wait3A_408] : memref<2x8x!tpu.dma_semaphore, #tpu.memory_space<semaphore_mem>> -> memref<1x1x!tpu.dma_semaphore, #tpu.memory_space<semaphore_mem>>
      %dma_wait3A_410 = tpu.memref_squeeze %dma_wait3A_409 : memref<1x1x!tpu.dma_semaphore, #tpu.memory_space<semaphore_mem>> -> memref<!tpu.dma_semaphore, #tpu.memory_space<semaphore_mem>>
      %dma_wait3A_411 = arith.constant 0 : i32
      %dma_wait3A_412 = arith.constant 51200 : i32
      %dma_wait3A_413 = tpu.memref_slice %arg3[%dma_wait3A_411, %dma_wait3A_412] : memref<1024x100000xf32, #tpu.memory_space<any>> -> memref<32x12800xf32, #tpu.memory_space<any>>
      %dma_wait3A_414 = arith.constant 0 : i32
      %dma_wait3A_415 = arith.constant 51200 : i32
      %dma_wait3A_416 = tpu.memref_slice %arg4[%dma_wait3A_406, %dma_wait3A_414, %dma_wait3A_415] : memref<2x32x100000xf32, #tpu.memory_space<vmem>> -> memref<1x32x12800xf32, #tpu.memory_space<vmem>>
      %dma_wait3A_417 = tpu.memref_squeeze %dma_wait3A_416 : memref<1x32x12800xf32, #tpu.memory_space<vmem>> -> memref<32x12800xf32, #tpu.memory_space<vmem>>
      tpu.wait_dma2 semaphore(%dma_wait3A_410 : memref<!tpu.dma_semaphore, #tpu.memory_space<semaphore_mem>>) src(%dma_wait3A_417 : memref<32x12800xf32, #tpu.memory_space<vmem>>) dst(%dma_wait3A_413 : memref<32x12800xf32, #tpu.memory_space<any>>)
      %dma_wait3A_418 = arith.constant 0 : i32
      %dma_wait3A_419 = arith.constant 0 : i32
      %dma_wait3A_420 = arith.constant 5 : i32
      %dma_wait3A_421 = tpu.memref_slice %arg5[%dma_wait3A_419, %dma_wait3A_420] : memref<2x8x!tpu.dma_semaphore, #tpu.memory_space<semaphore_mem>> -> memref<1x1x!tpu.dma_semaphore, #tpu.memory_space<semaphore_mem>>
      %dma_wait3A_422 = tpu.memref_squeeze %dma_wait3A_421 : memref<1x1x!tpu.dma_semaphore, #tpu.memory_space<semaphore_mem>> -> memref<!tpu.dma_semaphore, #tpu.memory_space<semaphore_mem>>
      %dma_wait3A_423 = arith.constant 0 : i32
      %dma_wait3A_424 = arith.constant 64000 : i32
      %dma_wait3A_425 = tpu.memref_slice %arg3[%dma_wait3A_423, %dma_wait3A_424] : memref<1024x100000xf32, #tpu.memory_space<any>> -> memref<32x12800xf32, #tpu.memory_space<any>>
      %dma_wait3A_426 = arith.constant 0 : i32
      %dma_wait3A_427 = arith.constant 64000 : i32
      %dma_wait3A_428 = tpu.memref_slice %arg4[%dma_wait3A_418, %dma_wait3A_426, %dma_wait3A_427] : memref<2x32x100000xf32, #tpu.memory_space<vmem>> -> memref<1x32x12800xf32, #tpu.memory_space<vmem>>
      %dma_wait3A_429 = tpu.memref_squeeze %dma_wait3A_428 : memref<1x32x12800xf32, #tpu.memory_space<vmem>> -> memref<32x12800xf32, #tpu.memory_space<vmem>>
      tpu.wait_dma2 semaphore(%dma_wait3A_422 : memref<!tpu.dma_semaphore, #tpu.memory_space<semaphore_mem>>) src(%dma_wait3A_429 : memref<32x12800xf32, #tpu.memory_space<vmem>>) dst(%dma_wait3A_425 : memref<32x12800xf32, #tpu.memory_space<any>>)
      %dma_wait3A_430 = arith.constant 0 : i32
      %dma_wait3A_431 = arith.constant 0 : i32
      %dma_wait3A_432 = arith.constant 6 : i32
      %dma_wait3A_433 = tpu.memref_slice %arg5[%dma_wait3A_431, %dma_wait3A_432] : memref<2x8x!tpu.dma_semaphore, #tpu.memory_space<semaphore_mem>> -> memref<1x1x!tpu.dma_semaphore, #tpu.memory_space<semaphore_mem>>
      %dma_wait3A_434 = tpu.memref_squeeze %dma_wait3A_433 : memref<1x1x!tpu.dma_semaphore, #tpu.memory_space<semaphore_mem>> -> memref<!tpu.dma_semaphore, #tpu.memory_space<semaphore_mem>>
      %dma_wait3A_435 = arith.constant 0 : i32
      %dma_wait3A_436 = arith.constant 76800 : i32
      %dma_wait3A_437 = tpu.memref_slice %arg3[%dma_wait3A_435, %dma_wait3A_436] : memref<1024x100000xf32, #tpu.memory_space<any>> -> memref<32x12800xf32, #tpu.memory_space<any>>
      %dma_wait3A_438 = arith.constant 0 : i32
      %dma_wait3A_439 = arith.constant 76800 : i32
      %dma_wait3A_440 = tpu.memref_slice %arg4[%dma_wait3A_430, %dma_wait3A_438, %dma_wait3A_439] : memref<2x32x100000xf32, #tpu.memory_space<vmem>> -> memref<1x32x12800xf32, #tpu.memory_space<vmem>>
      %dma_wait3A_441 = tpu.memref_squeeze %dma_wait3A_440 : memref<1x32x12800xf32, #tpu.memory_space<vmem>> -> memref<32x12800xf32, #tpu.memory_space<vmem>>
      tpu.wait_dma2 semaphore(%dma_wait3A_434 : memref<!tpu.dma_semaphore, #tpu.memory_space<semaphore_mem>>) src(%dma_wait3A_441 : memref<32x12800xf32, #tpu.memory_space<vmem>>) dst(%dma_wait3A_437 : memref<32x12800xf32, #tpu.memory_space<any>>)
      %dma_wait3A_442 = arith.constant 0 : i32
      %dma_wait3A_443 = arith.constant 0 : i32
      %dma_wait3A_444 = arith.constant 7 : i32
      %dma_wait3A_445 = tpu.memref_slice %arg5[%dma_wait3A_443, %dma_wait3A_444] : memref<2x8x!tpu.dma_semaphore, #tpu.memory_space<semaphore_mem>> -> memref<1x1x!tpu.dma_semaphore, #tpu.memory_space<semaphore_mem>>
      %dma_wait3A_446 = tpu.memref_squeeze %dma_wait3A_445 : memref<1x1x!tpu.dma_semaphore, #tpu.memory_space<semaphore_mem>> -> memref<!tpu.dma_semaphore, #tpu.memory_space<semaphore_mem>>
      %dma_wait3A_447 = arith.constant 0 : i32
      %dma_wait3A_448 = arith.constant 89600 : i32
      %dma_wait3A_449 = tpu.memref_slice %arg3[%dma_wait3A_447, %dma_wait3A_448] : memref<1024x100000xf32, #tpu.memory_space<any>> -> memref<32x10400xf32, #tpu.memory_space<any>>
      %dma_wait3A_450 = arith.constant 0 : i32
      %dma_wait3A_451 = arith.constant 89600 : i32
      %dma_wait3A_452 = tpu.memref_slice %arg4[%dma_wait3A_442, %dma_wait3A_450, %dma_wait3A_451] : memref<2x32x100000xf32, #tpu.memory_space<vmem>> -> memref<1x32x10400xf32, #tpu.memory_space<vmem>>
      %dma_wait3A_453 = tpu.memref_squeeze %dma_wait3A_452 : memref<1x32x10400xf32, #tpu.memory_space<vmem>> -> memref<32x10400xf32, #tpu.memory_space<vmem>>
      tpu.wait_dma2 semaphore(%dma_wait3A_446 : memref<!tpu.dma_semaphore, #tpu.memory_space<semaphore_mem>>) src(%dma_wait3A_453 : memref<32x10400xf32, #tpu.memory_space<vmem>>) dst(%dma_wait3A_449 : memref<32x10400xf32, #tpu.memory_space<any>>)
      %dma_wait3A_454 = arith.constant 1 : i32
      %dma_wait3A_455 = arith.constant 1 : i32
      %dma_wait3A_456 = arith.constant 0 : i32
      %dma_wait3A_457 = tpu.memref_slice %arg5[%dma_wait3A_455, %dma_wait3A_456] : memref<2x8x!tpu.dma_semaphore, #tpu.memory_space<semaphore_mem>> -> memref<1x1x!tpu.dma_semaphore, #tpu.memory_space<semaphore_mem>>
      %dma_wait3A_458 = tpu.memref_squeeze %dma_wait3A_457 : memref<1x1x!tpu.dma_semaphore, #tpu.memory_space<semaphore_mem>> -> memref<!tpu.dma_semaphore, #tpu.memory_space<semaphore_mem>>
      %dma_wait3A_459 = arith.constant 0 : i32
      %dma_wait3A_460 = arith.constant 0 : i32
      %dma_wait3A_461 = tpu.memref_slice %arg3[%dma_wait3A_459, %dma_wait3A_460] : memref<1024x100000xf32, #tpu.memory_space<any>> -> memref<32x12800xf32, #tpu.memory_space<any>>
      %dma_wait3A_462 = arith.constant 0 : i32
      %dma_wait3A_463 = arith.constant 0 : i32
      %dma_wait3A_464 = tpu.memref_slice %arg4[%dma_wait3A_454, %dma_wait3A_462, %dma_wait3A_463] : memref<2x32x100000xf32, #tpu.memory_space<vmem>> -> memref<1x32x12800xf32, #tpu.memory_space<vmem>>
      %dma_wait3A_465 = tpu.memref_squeeze %dma_wait3A_464 : memref<1x32x12800xf32, #tpu.memory_space<vmem>> -> memref<32x12800xf32, #tpu.memory_space<vmem>>
      tpu.wait_dma2 semaphore(%dma_wait3A_458 : memref<!tpu.dma_semaphore, #tpu.memory_space<semaphore_mem>>) src(%dma_wait3A_465 : memref<32x12800xf32, #tpu.memory_space<vmem>>) dst(%dma_wait3A_461 : memref<32x12800xf32, #tpu.memory_space<any>>)
      %dma_wait3A_466 = arith.constant 1 : i32
      %dma_wait3A_467 = arith.constant 1 : i32
      %dma_wait3A_468 = arith.constant 1 : i32
      %dma_wait3A_469 = tpu.memref_slice %arg5[%dma_wait3A_467, %dma_wait3A_468] : memref<2x8x!tpu.dma_semaphore, #tpu.memory_space<semaphore_mem>> -> memref<1x1x!tpu.dma_semaphore, #tpu.memory_space<semaphore_mem>>
      %dma_wait3A_470 = tpu.memref_squeeze %dma_wait3A_469 : memref<1x1x!tpu.dma_semaphore, #tpu.memory_space<semaphore_mem>> -> memref<!tpu.dma_semaphore, #tpu.memory_space<semaphore_mem>>
      %dma_wait3A_471 = arith.constant 0 : i32
      %dma_wait3A_472 = arith.constant 12800 : i32
      %dma_wait3A_473 = tpu.memref_slice %arg3[%dma_wait3A_471, %dma_wait3A_472] : memref<1024x100000xf32, #tpu.memory_space<any>> -> memref<32x12800xf32, #tpu.memory_space<any>>
      %dma_wait3A_474 = arith.constant 0 : i32
      %dma_wait3A_475 = arith.constant 12800 : i32
      %dma_wait3A_476 = tpu.memref_slice %arg4[%dma_wait3A_466, %dma_wait3A_474, %dma_wait3A_475] : memref<2x32x100000xf32, #tpu.memory_space<vmem>> -> memref<1x32x12800xf32, #tpu.memory_space<vmem>>
      %dma_wait3A_477 = tpu.memref_squeeze %dma_wait3A_476 : memref<1x32x12800xf32, #tpu.memory_space<vmem>> -> memref<32x12800xf32, #tpu.memory_space<vmem>>
      tpu.wait_dma2 semaphore(%dma_wait3A_470 : memref<!tpu.dma_semaphore, #tpu.memory_space<semaphore_mem>>) src(%dma_wait3A_477 : memref<32x12800xf32, #tpu.memory_space<vmem>>) dst(%dma_wait3A_473 : memref<32x12800xf32, #tpu.memory_space<any>>)
      %dma_wait3A_478 = arith.constant 1 : i32
      %dma_wait3A_479 = arith.constant 1 : i32
      %dma_wait3A_480 = arith.constant 2 : i32
      %dma_wait3A_481 = tpu.memref_slice %arg5[%dma_wait3A_479, %dma_wait3A_480] : memref<2x8x!tpu.dma_semaphore, #tpu.memory_space<semaphore_mem>> -> memref<1x1x!tpu.dma_semaphore, #tpu.memory_space<semaphore_mem>>
      %dma_wait3A_482 = tpu.memref_squeeze %dma_wait3A_481 : memref<1x1x!tpu.dma_semaphore, #tpu.memory_space<semaphore_mem>> -> memref<!tpu.dma_semaphore, #tpu.memory_space<semaphore_mem>>
      %dma_wait3A_483 = arith.constant 0 : i32
      %dma_wait3A_484 = arith.constant 25600 : i32
      %dma_wait3A_485 = tpu.memref_slice %arg3[%dma_wait3A_483, %dma_wait3A_484] : memref<1024x100000xf32, #tpu.memory_space<any>> -> memref<32x12800xf32, #tpu.memory_space<any>>
      %dma_wait3A_486 = arith.constant 0 : i32
      %dma_wait3A_487 = arith.constant 25600 : i32
      %dma_wait3A_488 = tpu.memref_slice %arg4[%dma_wait3A_478, %dma_wait3A_486, %dma_wait3A_487] : memref<2x32x100000xf32, #tpu.memory_space<vmem>> -> memref<1x32x12800xf32, #tpu.memory_space<vmem>>
      %dma_wait3A_489 = tpu.memref_squeeze %dma_wait3A_488 : memref<1x32x12800xf32, #tpu.memory_space<vmem>> -> memref<32x12800xf32, #tpu.memory_space<vmem>>
      tpu.wait_dma2 semaphore(%dma_wait3A_482 : memref<!tpu.dma_semaphore, #tpu.memory_space<semaphore_mem>>) src(%dma_wait3A_489 : memref<32x12800xf32, #tpu.memory_space<vmem>>) dst(%dma_wait3A_485 : memref<32x12800xf32, #tpu.memory_space<any>>)
      %dma_wait3A_490 = arith.constant 1 : i32
      %dma_wait3A_491 = arith.constant 1 : i32
      %dma_wait3A_492 = arith.constant 3 : i32
      %dma_wait3A_493 = tpu.memref_slice %arg5[%dma_wait3A_491, %dma_wait3A_492] : memref<2x8x!tpu.dma_semaphore, #tpu.memory_space<semaphore_mem>> -> memref<1x1x!tpu.dma_semaphore, #tpu.memory_space<semaphore_mem>>
      %dma_wait3A_494 = tpu.memref_squeeze %dma_wait3A_493 : memref<1x1x!tpu.dma_semaphore, #tpu.memory_space<semaphore_mem>> -> memref<!tpu.dma_semaphore, #tpu.memory_space<semaphore_mem>>
      %dma_wait3A_495 = arith.constant 0 : i32
      %dma_wait3A_496 = arith.constant 38400 : i32
      %dma_wait3A_497 = tpu.memref_slice %arg3[%dma_wait3A_495, %dma_wait3A_496] : memref<1024x100000xf32, #tpu.memory_space<any>> -> memref<32x12800xf32, #tpu.memory_space<any>>
      %dma_wait3A_498 = arith.constant 0 : i32
      %dma_wait3A_499 = arith.constant 38400 : i32
      %dma_wait3A_500 = tpu.memref_slice %arg4[%dma_wait3A_490, %dma_wait3A_498, %dma_wait3A_499] : memref<2x32x100000xf32, #tpu.memory_space<vmem>> -> memref<1x32x12800xf32, #tpu.memory_space<vmem>>
      %dma_wait3A_501 = tpu.memref_squeeze %dma_wait3A_500 : memref<1x32x12800xf32, #tpu.memory_space<vmem>> -> memref<32x12800xf32, #tpu.memory_space<vmem>>
      tpu.wait_dma2 semaphore(%dma_wait3A_494 : memref<!tpu.dma_semaphore, #tpu.memory_space<semaphore_mem>>) src(%dma_wait3A_501 : memref<32x12800xf32, #tpu.memory_space<vmem>>) dst(%dma_wait3A_497 : memref<32x12800xf32, #tpu.memory_space<any>>)
      %dma_wait3A_502 = arith.constant 1 : i32
      %dma_wait3A_503 = arith.constant 1 : i32
      %dma_wait3A_504 = arith.constant 4 : i32
      %dma_wait3A_505 = tpu.memref_slice %arg5[%dma_wait3A_503, %dma_wait3A_504] : memref<2x8x!tpu.dma_semaphore, #tpu.memory_space<semaphore_mem>> -> memref<1x1x!tpu.dma_semaphore, #tpu.memory_space<semaphore_mem>>
      %dma_wait3A_506 = tpu.memref_squeeze %dma_wait3A_505 : memref<1x1x!tpu.dma_semaphore, #tpu.memory_space<semaphore_mem>> -> memref<!tpu.dma_semaphore, #tpu.memory_space<semaphore_mem>>
      %dma_wait3A_507 = arith.constant 0 : i32
      %dma_wait3A_508 = arith.constant 51200 : i32
      %dma_wait3A_509 = tpu.memref_slice %arg3[%dma_wait3A_507, %dma_wait3A_508] : memref<1024x100000xf32, #tpu.memory_space<any>> -> memref<32x12800xf32, #tpu.memory_space<any>>
      %dma_wait3A_510 = arith.constant 0 : i32
      %dma_wait3A_511 = arith.constant 51200 : i32
      %dma_wait3A_512 = tpu.memref_slice %arg4[%dma_wait3A_502, %dma_wait3A_510, %dma_wait3A_511] : memref<2x32x100000xf32, #tpu.memory_space<vmem>> -> memref<1x32x12800xf32, #tpu.memory_space<vmem>>
      %dma_wait3A_513 = tpu.memref_squeeze %dma_wait3A_512 : memref<1x32x12800xf32, #tpu.memory_space<vmem>> -> memref<32x12800xf32, #tpu.memory_space<vmem>>
      tpu.wait_dma2 semaphore(%dma_wait3A_506 : memref<!tpu.dma_semaphore, #tpu.memory_space<semaphore_mem>>) src(%dma_wait3A_513 : memref<32x12800xf32, #tpu.memory_space<vmem>>) dst(%dma_wait3A_509 : memref<32x12800xf32, #tpu.memory_space<any>>)
      %dma_wait3A_514 = arith.constant 1 : i32
      %dma_wait3A_515 = arith.constant 1 : i32
      %dma_wait3A_516 = arith.constant 5 : i32
      %dma_wait3A_517 = tpu.memref_slice %arg5[%dma_wait3A_515, %dma_wait3A_516] : memref<2x8x!tpu.dma_semaphore, #tpu.memory_space<semaphore_mem>> -> memref<1x1x!tpu.dma_semaphore, #tpu.memory_space<semaphore_mem>>
      %dma_wait3A_518 = tpu.memref_squeeze %dma_wait3A_517 : memref<1x1x!tpu.dma_semaphore, #tpu.memory_space<semaphore_mem>> -> memref<!tpu.dma_semaphore, #tpu.memory_space<semaphore_mem>>
      %dma_wait3A_519 = arith.constant 0 : i32
      %dma_wait3A_520 = arith.constant 64000 : i32
      %dma_wait3A_521 = tpu.memref_slice %arg3[%dma_wait3A_519, %dma_wait3A_520] : memref<1024x100000xf32, #tpu.memory_space<any>> -> memref<32x12800xf32, #tpu.memory_space<any>>
      %dma_wait3A_522 = arith.constant 0 : i32
      %dma_wait3A_523 = arith.constant 64000 : i32
      %dma_wait3A_524 = tpu.memref_slice %arg4[%dma_wait3A_514, %dma_wait3A_522, %dma_wait3A_523] : memref<2x32x100000xf32, #tpu.memory_space<vmem>> -> memref<1x32x12800xf32, #tpu.memory_space<vmem>>
      %dma_wait3A_525 = tpu.memref_squeeze %dma_wait3A_524 : memref<1x32x12800xf32, #tpu.memory_space<vmem>> -> memref<32x12800xf32, #tpu.memory_space<vmem>>
      tpu.wait_dma2 semaphore(%dma_wait3A_518 : memref<!tpu.dma_semaphore, #tpu.memory_space<semaphore_mem>>) src(%dma_wait3A_525 : memref<32x12800xf32, #tpu.memory_space<vmem>>) dst(%dma_wait3A_521 : memref<32x12800xf32, #tpu.memory_space<any>>)
      %dma_wait3A_526 = arith.constant 1 : i32
      %dma_wait3A_527 = arith.constant 1 : i32
      %dma_wait3A_528 = arith.constant 6 : i32
      %dma_wait3A_529 = tpu.memref_slice %arg5[%dma_wait3A_527, %dma_wait3A_528] : memref<2x8x!tpu.dma_semaphore, #tpu.memory_space<semaphore_mem>> -> memref<1x1x!tpu.dma_semaphore, #tpu.memory_space<semaphore_mem>>
      %dma_wait3A_530 = tpu.memref_squeeze %dma_wait3A_529 : memref<1x1x!tpu.dma_semaphore, #tpu.memory_space<semaphore_mem>> -> memref<!tpu.dma_semaphore, #tpu.memory_space<semaphore_mem>>
      %dma_wait3A_531 = arith.constant 0 : i32
      %dma_wait3A_532 = arith.constant 76800 : i32
      %dma_wait3A_533 = tpu.memref_slice %arg3[%dma_wait3A_531, %dma_wait3A_532] : memref<1024x100000xf32, #tpu.memory_space<any>> -> memref<32x12800xf32, #tpu.memory_space<any>>
      %dma_wait3A_534 = arith.constant 0 : i32
      %dma_wait3A_535 = arith.constant 76800 : i32
      %dma_wait3A_536 = tpu.memref_slice %arg4[%dma_wait3A_526, %dma_wait3A_534, %dma_wait3A_535] : memref<2x32x100000xf32, #tpu.memory_space<vmem>> -> memref<1x32x12800xf32, #tpu.memory_space<vmem>>
      %dma_wait3A_537 = tpu.memref_squeeze %dma_wait3A_536 : memref<1x32x12800xf32, #tpu.memory_space<vmem>> -> memref<32x12800xf32, #tpu.memory_space<vmem>>
      tpu.wait_dma2 semaphore(%dma_wait3A_530 : memref<!tpu.dma_semaphore, #tpu.memory_space<semaphore_mem>>) src(%dma_wait3A_537 : memref<32x12800xf32, #tpu.memory_space<vmem>>) dst(%dma_wait3A_533 : memref<32x12800xf32, #tpu.memory_space<any>>)
      %dma_wait3A_538 = arith.constant 1 : i32
      %dma_wait3A_539 = arith.constant 1 : i32
      %dma_wait3A_540 = arith.constant 7 : i32
      %dma_wait3A_541 = tpu.memref_slice %arg5[%dma_wait3A_539, %dma_wait3A_540] : memref<2x8x!tpu.dma_semaphore, #tpu.memory_space<semaphore_mem>> -> memref<1x1x!tpu.dma_semaphore, #tpu.memory_space<semaphore_mem>>
      %dma_wait3A_542 = tpu.memref_squeeze %dma_wait3A_541 : memref<1x1x!tpu.dma_semaphore, #tpu.memory_space<semaphore_mem>> -> memref<!tpu.dma_semaphore, #tpu.memory_space<semaphore_mem>>
      %dma_wait3A_543 = arith.constant 0 : i32
      %dma_wait3A_544 = arith.constant 89600 : i32
      %dma_wait3A_545 = tpu.memref_slice %arg3[%dma_wait3A_543, %dma_wait3A_544] : memref<1024x100000xf32, #tpu.memory_space<any>> -> memref<32x10400xf32, #tpu.memory_space<any>>
      %dma_wait3A_546 = arith.constant 0 : i32
      %dma_wait3A_547 = arith.constant 89600 : i32
      %dma_wait3A_548 = tpu.memref_slice %arg4[%dma_wait3A_538, %dma_wait3A_546, %dma_wait3A_547] : memref<2x32x100000xf32, #tpu.memory_space<vmem>> -> memref<1x32x10400xf32, #tpu.memory_space<vmem>>
      %dma_wait3A_549 = tpu.memref_squeeze %dma_wait3A_548 : memref<1x32x10400xf32, #tpu.memory_space<vmem>> -> memref<32x10400xf32, #tpu.memory_space<vmem>>
      tpu.wait_dma2 semaphore(%dma_wait3A_542 : memref<!tpu.dma_semaphore, #tpu.memory_space<semaphore_mem>>) src(%dma_wait3A_549 : memref<32x10400xf32, #tpu.memory_space<vmem>>) dst(%dma_wait3A_545 : memref<32x10400xf32, #tpu.memory_space<any>>)
    } else {
    }
    return
  }
  func.func @transform_0(%arg0: i32) -> (i32, i32) {
    %c0_i32 = arith.constant 0 : i32
    %c0_i32_0 = arith.constant 0 : i32
    %c0_i32_1 = arith.constant 0 : i32
    return %c0_i32, %c0_i32_0 : i32, i32
  }
  func.func @transform_1(%arg0: i32) -> (i32, i32) {
    %c0_i32 = arith.constant 0 : i32
    %c0_i32_0 = arith.constant 0 : i32
    %c0_i32_1 = arith.constant 0 : i32
    return %c0_i32, %c0_i32_0 : i32, i32
  }
}

</mosaic_0001>

<sc_bundles>
// kernel: kernel.4.cloned.1.call-start
scs
__scs_entry_jumppad:
0x0: {  	(pc) =	sbr.rel $0x88, $3  }
0x1: {  	(tag) =	ssettag $0x0;
	lr =	simm.s32 $0x1  }
0x2: {  	[smem:$0x3F9E] =	sst lr;
	_ =	strace $0xD0000000  }
0x3: {  	_ = 	snop  }
0x4: {  	_ = 	snop  }
0x5: {  	_ = 	snop  }
0x6: {  	_ = 	snop  }
0x7: {  	_ = 	snop  }
__scs_overlays_trampoline_lowered:
0x8: {  	[smem:$0x3FAD] =	sst s0  }
0x9: {  	[smem:$0x3FAE] =	sst s1  }
0xa: {  	[smem:$0x3FAF] =	sst s2  }
0xb: {  	[smem:$0x3FB0] =	sst s3  }
0xc: {  	[smem:$0x3FB1] =	sst s4  }
0xd: {  	[smem:$0x3FB2] =	sst s5  }
0xe: {  	[smem:$0x3FB3] =	sst s6  }
0xf: {  	[smem:$0x3FB4] =	sst s7  }
0x10: {  	[smem:$0x3FB5] =	sst s8  }
0x11: {  	[smem:$0x3FB6] =	sst s9;
	s0 =	simm.s32 @!p0 $0x0  }
0x12: {  	s1 =	sld [smem:$0x3F9C];
	s0 =	simm.s32 @p0 $0x1  }
0x13: {  	[smem:$0x3FB7] =	sst s0;
	s0 =	simm.s32 @!p1 $0x0  }
0x14: {  	s2 =	sld [smem:$0x3F9B];
	s0 =	simm.s32 @p1 $0x1  }
0x15: {  	[smem:$0x3FB8] =	sst s0;
	s0 =	simm.s32 @!p2 $0x0  }
0x16: {  	s3 =	sld [smem:$0x3FDB];
	s0 =	simm.s32 @p2 $0x1  }
0x17: {  	s4 =	simm.s32 $0x1BF5;
	[smem:$0x3FBA] =	sst s0  }
0x18: {  	s0 =	sld [smem:$0x3F9D];
	_ =	swait.ge [sflag:s4], $0x0  }
0x19: {  	s7 =	sld [smem:$0x3F9E]  }
0x1a: {  	s8 =	sadd.s32 $0xFFFFE003, lr  }
0x1b: {  	s9 =	sadd.s32 $0xFFFFFEF7, lr;
	s5 =	simm.s32 $0xFFFFFFFF;
	p2 =	slt.u32 s8, $0xFFFFF086  }
0x1c: {  	p1 =	slt.u32 s9, $0xF7A;
	s5 =	simm.s32 @!p2 $0x0  }
0x1d: {  	s5 =	simm.s32 @p1 $0x1;
	p0 =	seq.s32 s7, s2  }
0x1e: {  	s7 =	smul.u32 @!p0 $0xF7A, s2;
	p2 =	seq.s32 @!p0 s5, $0x0  }
0x1f: {  	s9 =	smul.u32 $0xF7A, s1;
	s8 =	simm.s32 @!p0 $0x1BF5;
	p2 =	por !p2, p0  }
0x20: {  	[sflag:s8] =	ssyncset.s32 @!p0 $0xFFFFF086;
	s6 =	sadd.s32 @!p0 s3, s7;
	s7 =	simm.s32 @!p0 $0x108  }
0x21: {  	s3 =	sadd.s32 s3, s9;
	s6 =	sadd.s32 @!p0 $0x88, s6;
	s7 =	simm.s32 @p2 $0x1082  }
0x22: {  	[simem:s7], [sflag:s8] =	dma.local @!p0 [hbm:s6], $0xF7A  }
0x23: {  	s9 =	sor.u32 $0xD0000000, s2;
	s6 =	simm.s32 $0x108;
	_ =	swait.ge @!p0 [sflag:s8], $0x0  }
0x24: {  	s3 =	sadd.s32 $0x88, s3;
	s6 =	simm.s32 @!p1 $0x1082;
	[sflag:s4] =	ssyncset.s32 $0xFFFFF086  }
0x25: {  	[simem:s6], [sflag:s4] =	dma.local [hbm:s3], $0xF7A  }
0x26: {  	[smem:$0x3F9E] =	sst s1;
	(tag) =	ssettag s2;
	_ =	strace s9  }
0x27: {  	s1 =	sld [smem:$0x3FAE]  }
0x28: {  	s2 =	sld [smem:$0x3FAF]  }
0x29: {  	s4 =	sld [smem:$0x3FB1]  }
0x2a: {  	p0 =	seq.s32 s5, $0x0;
	s5 =	sld [smem:$0x3FB2]  }
0x2b: {  	s6 =	sld [smem:$0x3FB3]  }
0x2c: {  	s7 =	sld [smem:$0x3FB4]  }
0x2d: {  	s3 =	simm.s32 $0x108;
	s8 =	sld [smem:$0x3FB5]  }
0x2e: {  	s3 =	simm.s32 @!p0 $0x1082;
	s9 =	sld [smem:$0x3FB6]  }
0x2f: {  	lr =	sadd.s32 s0, s3;
	s0 =	sld [smem:$0x3FAD]  }
0x30: {  	s3 =	sld [smem:$0x3FB0]  }
0x31: {  	[smem:$0x3FB9] =	sst s10  }
0x32: {  	s10 =	sld [smem:$0x3FB7];
	_ =	sdelay $0x3  }
0x33: {  	p0 =	seq.s32 s10, $0x1;
	s10 =	sld [smem:$0x3FB9];
	_ =	sdelay $0x3  }
0x34: {  	[smem:$0x3FB9] =	sst s10  }
0x35: {  	s10 =	sld [smem:$0x3FB8];
	_ =	sdelay $0x3  }
0x36: {  	p1 =	seq.s32 s10, $0x1;
	s10 =	sld [smem:$0x3FB9];
	_ =	sdelay $0x3  }
0x37: {  	[smem:$0x3FB9] =	sst s10  }
0x38: {  	s10 =	sld [smem:$0x3FBA]  }
0x39: {  	_ = 	snop;
	(pc) =	sbr.ind lr, $3  }
0x3a: {  	_ = 	snop  }
0x3b: {  	_ = 	snop  }
0x3c: {  	p2 =	seq.s32 s10, $0x1;
	s10 =	sld [smem:$0x3FB9]  }
0x3d: {  	_ =	shalt  }
0x3e: {  	_ =	shalt  }
0x3f: {  	_ =	shalt  }
0x40: {  	_ =	shalt  }
0x41: {  	_ =	shalt  }
0x42: {  	_ =	shalt  }
0x43: {  	_ =	shalt  }
0x44: {  	_ =	shalt  }
0x45: {  	_ =	shalt  }
0x46: {  	_ =	shalt  }
0x47: {  	_ =	shalt  }
0x48: {  	_ =	shalt  }
0x49: {  	_ =	shalt  }
0x4a: {  	_ =	shalt  }
0x4b: {  	_ =	shalt  }
0x4c: {  	_ =	shalt  }
0x4d: {  	_ =	shalt  }
0x4e: {  	_ =	shalt  }
0x4f: {  	_ =	shalt  }
0x50: {  	_ =	shalt  }
0x51: {  	_ =	shalt  }
0x52: {  	_ =	shalt  }
0x53: {  	_ =	shalt  }
0x54: {  	_ =	shalt  }
0x55: {  	_ =	shalt  }
0x56: {  	_ =	shalt  }
0x57: {  	_ =	shalt  }
0x58: {  	_ =	shalt  }
0x59: {  	_ =	shalt  }
0x5a: {  	_ =	shalt  }
0x5b: {  	_ =	shalt  }
0x5c: {  	_ =	shalt  }
0x5d: {  	_ =	shalt  }
0x5e: {  	_ =	shalt  }
0x5f: {  	_ =	shalt  }
0x60: {  	_ =	shalt  }
0x61: {  	_ =	shalt  }
0x62: {  	_ =	shalt  }
0x63: {  	_ =	shalt  }
0x64: {  	_ =	shalt  }
0x65: {  	_ =	shalt  }
0x66: {  	_ =	shalt  }
0x67: {  	_ =	shalt  }
0x68: {  	_ =	shalt  }
0x69: {  	_ =	shalt  }
0x6a: {  	_ =	shalt  }
0x6b: {  	_ =	shalt  }
0x6c: {  	_ =	shalt  }
0x6d: {  	_ =	shalt  }
0x6e: {  	_ =	shalt  }
0x6f: {  	_ =	shalt  }
0x70: {  	_ =	shalt  }
0x71: {  	_ =	shalt  }
0x72: {  	_ =	shalt  }
0x73: {  	_ =	shalt  }
0x74: {  	_ =	shalt  }
0x75: {  	_ =	shalt  }
0x76: {  	_ =	shalt  }
0x77: {  	_ =	shalt  }
0x78: {  	_ =	shalt  }
0x79: {  	_ =	shalt  }
0x7a: {  	_ =	shalt  }
0x7b: {  	_ =	shalt  }
0x7c: {  	_ =	shalt  }
0x7d: {  	_ =	shalt  }
0x7e: {  	_ =	shalt  }
0x7f: {  	_ =	shalt  }
0x80: {  	_ =	shalt  }
0x81: {  	_ =	shalt  }
0x82: {  	_ =	shalt  }
0x83: {  	_ =	shalt  }
0x84: {  	_ =	shalt  }
0x85: {  	_ =	shalt  }
0x86: {  	_ =	shalt  }
0x87: {  	_ =	shalt  }
.Lfunc_end0:
.L_simem_size_0:
called_computation_lowered:
.L_overlay_start_0:
0x88: {  	s2 =	sld [smem:$0x3FD9]  }
0x89: {  	s3 =	sld [smem:$0x3FFE];
	_ =	sdelay $0x1  }
0x8a: {  	s1 =	srdreg.scid  }
0x8b: {  	s0 =	sand.u32 $0x1, s1  }
0x8c: {  	s17 =	sshll.u32 s0, $0xA;
	s2 =	sadd.s32 s3, s2  }
0x8d: {  	s2 =	sadd.s32 s2, s17  }
0x8e: {  	[smem:$0x3FC5] =	sst s2  }
0x8f: {  	_ = 	snop  }
0x90: {  	s2 =	sld [smem:$0x3FD0];
	(tm) =	ssettm $0x1  }
0x91: {  	s18 =	sld [smem:$0x3FFB];
	_ =	sdelay $0x3  }
0x92: {  	_ =	strace s18  }
0x93: {  	s3 =	sld [smem:$0x3FFC];
	_ =	sdelay $0x3  }
0x94: {  	_ =	strace s3  }
0x95: {  	s3 =	sld [smem:$0x3FFD];
	_ =	sdelay $0x3  }
0x96: {  	_ =	strace s3  }
0x97: {  	_ =	strace $0x8FFFFFFF  }
0x98: {  	s19 =	sld [smem:$0x3FDB];
	_ =	sdelay $0x1  }
0x99: {  	s4 =	simm.s32 $_scs_section_size  }
0x9a: {  	s5 =	simm.s32 $_size__tile_overlayer_lowered;
	s6 =	simm.s32 $_tile_overlayer_lowered  }
0x9b: {  	s22 =	simm.s32 $0x1BFF;
	s21 =	sshll.u32 s6, $0x1;
	s3 =	sadd.s32 s4, s19  }
0x9c: {  	s7 =	simm.s32 $0x0;
	s20 =	sshll.u32 s5, $0x1;
	s5 =	sadd.s32 s21, s3  }
0x9d: {  	[timem:s7], [sflag:s22] =	dma.local [hbm:s5], s20  }
0x9e: {  	_ =	swait.ge [sflag:s22], s20  }
0x9f: {  	s4 =	ssub.s32 $0x0, s20;
	[sflag:s22] =	ssyncset.done $0x0  }
0xa0: {  	[sflag:s22] =	ssyncadd.s32 s4;
	_ =	sdelay $0x1  }
0xa1: {  	s23 =	simm.s32 $0x1B8B  }
0xa2: {  	_ =	swait.ge [sflag:s23], $0x1  }
0xa3: {  	[sflag:s23] =	ssyncset.done $0x0  }
0xa4: {  	s25 =	simm.s32 $0x1B8E;
	s24 =	sld [smem:$0x3FFE];
	[sflag:s23] =	ssyncadd.s32 $0xFFFFFFFF  }
0xa5: {  	s26 =	simm.s32 $execute0_lowered;
	[smem:$0x3FD2] =	sst s25  }
0xa6: {  	s5 =	sshll.u32 s26, $0x1;
	_ =	strace $0x80000046;
	[dreg:$0x1] =	wrdreg $0xFFFFFFFF  }
0xa7: {  	s28 =	simm.s32 $_size_execute0_lowered;
	s3 =	sadd.s32 s3, s5;
	[dreg:$0x0] =	wrdreg $0x0  }
0xa8: {  	s5 =	sshll.u32 s28, $0x1;
	[dreg:$0x2] =	wrdreg s3  }
0xa9: {  	[dreg:$0x3] =	wrdreg s5  }
0xaa: {  	[dreg:$0x4] =	wrdreg $0xC0  }
0xab: {  	_ =	task [dreg:s7], $0x5FFFF  }
0xac: {  	[dreg:$0x1] =	wrdreg $0xFFFFFFFF  }
0xad: {  	[dreg:$0x0] =	wrdreg $0x60  }
0xae: {  	[dreg:$0x2] =	wrdreg s24  }
0xaf: {  	[dreg:$0x3] =	wrdreg s2  }
0xb0: {  	[dreg:$0x4] =	wrdreg $0x9  }
0xb1: {  	_ =	task.clear_ibuf [dreg:s7], $0x5FFFF;
	_ =	strace $0x90000046  }
0xb2: {  	s29 =	simm.s32 $0x9;
	_ =	strace $0x80000048  }
0xb3: {  	_ =	swait.ge [sflag:s29], $0x1  }
0xb4: {  	[sflag:s29] =	ssyncadd.s32 $0xFFFFFFFF  }
0xb5: {  	_ =	strace $0x90000048  }
0xb6: {  	_ =	sfence  }
0xb7: {  	s30 =	sld [smem:$0x0];
	_ =	sdelay $0x2  }
0xb8: {  	s31 =	sshll.u32 s1, $0xD;
	s1 =	sshrl.u32 s1, $0x2  }
0xb9: {  	s3 =	sand.u32 $0x4000, s31;
	s1 =	sadd.s32 s1, s30  }
0xba: {  	s0 =	sor.u32 s3, s0;
	s1 =	sshll.u32 s1, $0x11  }
0xbb: {  	s0 =	sor.u32 s1, s0  }
0xbc: {  	s0 =	sadd.s32 $0x8F2B, s0  }
0xbd: {  	[sflag:s0] =	ssyncadd.remote.s32 $0x1  }
0xbe: {  	_ =	sfence.sel $0xFFFF  }
0xbf: {  	[dreg:$0x0] =	wrdreg $0xFFFFFFFF;
	(pc) =	sbr.abs _section_cstart, $3  }
0xc0: {  	[dreg:$0x1] =	wrdreg $0xFFFFFFFF  }
0xc1: {  	_ =	task.clear_ibuf [dreg:s7], $0x2FFFF;
	_ =	strace $0x9FFFFFFF  }
0xc2: {  	(tm) =	ssettm $0x7FFFFFFF  }
0xc3: {  	_ =	shalt  }
tec
execute0_lowered:
.L_overlay_start_1:
0x0: {  	(tag) =	ssettag $0x1  }
0x1: {  	s0 =	rddreg [dreg:$0x0]  }
0x2: {  	s1 =	srdreg.scid;
	s2 =	stileid.u32  }
0x3: {  	s5 =	rddreg [dreg:$0x1];
	s8 =	simm.s32 $0x64;
	s22 =	simm.s32 $0x5E00  }
0x4: {  	s23 =	simm.s32 $0x340;
	s24 =	simm.s32 $0x6A80;
	s25 =	simm.s32 $0x3A8  }
0x5: {  	s28 =	simm.s32 $0x410;
	s29 =	simm.s32 $0x8380;
	s30 =	simm.s32 $0x478  }
0x6: {  	s31 =	simm.s32 $0x9000;
	s9 =	simm.s32 $0x548;
	s10 =	simm.s32 $0xA900  }
0x7: {  	s11 =	simm.s32 $0x5B0;
	s12 =	simm.s32 $0xB580;
	s13 =	simm.s32 $0x618  }
0x8: {  	s14 =	simm.s32 $0xC200;
	s15 =	simm.s32 $0x1;
	s16 =	simm.s32 $0xCE80  }
0x9: {  	s1 =	sand.u32 $0x1, s1;
	s3 =	sshll.u32 s2, $0x1;
	s2 =	simm.s32 $0x0  }
0xa: {  	s17 =	simm.s32 $0x0;
	s4 =	sor.u32 s1, s3;
	[smem:$0x7FF] =	sst s2  }
0xb: {  	s3 =	sadd.s32 $0x2E00, s0;
	s1 =	ssub.s32 $0x2, s1;
	s6 =	smul.u32 $0xD0, s4  }
0xc: {  	_ =	strace $0x80000047;
	s26 =	sshrl.u32 s1, $0x1;
	s7 =	sshll.u32 s4, $0x7  }
0xd: {  	s1 =	ssub.s32 s1, s26;
	s5 =	sadd.s32 s5, s7;
	s7 =	simm.s32 $0x2  }
0xe: {  	s26 =	simm.s32 $0x7700;
	s0 =	sadd.s32 s6, s0;
	s6 =	smax.u32 s1, $0x1  }
0xf: {  	s1 =	simm.s32 $0x4E0;
	s4 =	sadd.s32 $0x1400, s0;
	s0 =	simm.s32 $0x9C80  }
.LBB2_1:
0x10: {  	[tilespmem:s2], [sflag:$0x2] =	stream.linear.gather [hbm4b:s4+s2], $0x680, $0x38;
	[tilespmem:$0xD280] =	vst v63  }
0x11: {  	_ =	swait.ge [sflag:s7], $0x680  }
0x12: {  	[sflag:s7] =	ssyncset.done $0x0  }
0x13: {  	s18 =	simm.s32 $0x680;
	[sflag:s7] =	ssyncadd.s32 $0xFFFFF980  }
0x14: {  	[tilespmem:s18], [sflag:$0x1] =	stream.indirect.gather [hbm4b:s3+s8], $0x20, s2, s8, $0xb8;
	[tilespmem:$0xD280] =	vst v63  }
0x15: {  	s19 =	simm.s32 $0x68;
	s20 =	simm.s32 $0x1300  }
0x16: {  	[tilespmem:s20], [sflag:$0x1] =	stream.indirect.gather [hbm4b:s3+s8], $0x20, s19, s8, $0xb8;
	[tilespmem:$0xD280] =	vst v63  }
0x17: {  	s21 =	simm.s32 $0x1F80;
	s20 =	simm.s32 $0xD0  }
0x18: {  	[tilespmem:s21], [sflag:$0x1] =	stream.indirect.gather [hbm4b:s3+s8], $0x20, s20, s8, $0xb8;
	[tilespmem:$0xD280] =	vst v63  }
0x19: {  	s20 =	simm.s32 $0x138;
	s21 =	simm.s32 $0x2C00  }
0x1a: {  	[tilespmem:s21], [sflag:$0x1] =	stream.indirect.gather [hbm4b:s3+s8], $0x20, s20, s8, $0xb8;
	[tilespmem:$0xD280] =	vst v63  }
0x1b: {  	s20 =	simm.s32 $0x1A0;
	s21 =	simm.s32 $0x3880  }
0x1c: {  	[tilespmem:s21], [sflag:$0x1] =	stream.indirect.gather [hbm4b:s3+s8], $0x20, s20, s8, $0xb8;
	[tilespmem:$0xD280] =	vst v63  }
0x1d: {  	s20 =	simm.s32 $0x208;
	s21 =	simm.s32 $0x4500  }
0x1e: {  	[tilespmem:s21], [sflag:$0x1] =	stream.indirect.gather [hbm4b:s3+s8], $0x20, s20, s8, $0xb8;
	[tilespmem:$0xD280] =	vst v63  }
0x1f: {  	s20 =	simm.s32 $0x270;
	s21 =	simm.s32 $0x5180  }
0x20: {  	[tilespmem:s21], [sflag:$0x1] =	stream.indirect.gather [hbm4b:s3+s8], $0x20, s20, s8, $0xb8;
	[tilespmem:$0xD280] =	vst v63  }
0x21: {  	s21 =	simm.s32 $0x2D8  }
0x22: {  	[tilespmem:s22], [sflag:$0x1] =	stream.indirect.gather [hbm4b:s3+s8], $0x20, s21, s8, $0xb8;
	[tilespmem:$0xD280] =	vst v63  }
0x23: {  	_ = 	snop  }
0x24: {  	[tilespmem:s24], [sflag:$0x1] =	stream.indirect.gather [hbm4b:s3+s8], $0x20, s23, s8, $0xb8;
	[tilespmem:$0xD280] =	vst v63  }
0x25: {  	_ = 	snop  }
0x26: {  	[tilespmem:s26], [sflag:$0x1] =	stream.indirect.gather [hbm4b:s3+s8], $0x20, s25, s8, $0xb8;
	[tilespmem:$0xD280] =	vst v63  }
0x27: {  	_ = 	snop  }
0x28: {  	[tilespmem:s29], [sflag:$0x1] =	stream.indirect.gather [hbm4b:s3+s8], $0x20, s28, s8, $0xb8;
	[tilespmem:$0xD280] =	vst v63  }
0x29: {  	_ = 	snop  }
0x2a: {  	[tilespmem:s31], [sflag:$0x1] =	stream.indirect.gather [hbm4b:s3+s8], $0x20, s30, s8, $0xb8;
	[tilespmem:$0xD280] =	vst v63  }
0x2b: {  	_ = 	snop  }
0x2c: {  	[tilespmem:s0], [sflag:$0x1] =	stream.indirect.gather [hbm4b:s3+s8], $0x20, s1, s8, $0xb8;
	[tilespmem:$0xD280] =	vst v63  }
0x2d: {  	_ = 	snop  }
0x2e: {  	[tilespmem:s10], [sflag:$0x1] =	stream.indirect.gather [hbm4b:s3+s8], $0x20, s9, s8, $0xb8;
	[tilespmem:$0xD280] =	vst v63  }
0x2f: {  	_ = 	snop  }
0x30: {  	[tilespmem:s12], [sflag:$0x1] =	stream.indirect.gather [hbm4b:s3+s8], $0x20, s11, s8, $0xb8;
	[tilespmem:$0xD280] =	vst v63  }
0x31: {  	_ = 	snop  }
0x32: {  	[tilespmem:s14], [sflag:$0x1] =	stream.indirect.gather [hbm4b:s3+s8], $0x20, s13, s8, $0xb8;
	[tilespmem:$0xD280] =	vst v63  }
0x33: {  	_ =	swait.ge [sflag:s15], $0xC80  }
0x34: {  	[sflag:s15] =	ssyncset.done $0x0  }
0x35: {  	[sflag:s15] =	ssyncadd.s32 $0xFFFFF380  }
0x36: {  	_ =	swait.ge [sflag:s15], $0xC80  }
0x37: {  	[sflag:s15] =	ssyncset.done $0x0  }
0x38: {  	[sflag:s15] =	ssyncadd.s32 $0xFFFFF380  }
0x39: {  	_ =	swait.ge [sflag:s15], $0xC80  }
0x3a: {  	[sflag:s15] =	ssyncset.done $0x0  }
0x3b: {  	[sflag:s15] =	ssyncadd.s32 $0xFFFFF380  }
0x3c: {  	_ =	swait.ge [sflag:s15], $0xC80  }
0x3d: {  	[sflag:s15] =	ssyncset.done $0x0  }
0x3e: {  	[sflag:s15] =	ssyncadd.s32 $0xFFFFF380  }
0x3f: {  	_ =	swait.ge [sflag:s15], $0xC80  }
0x40: {  	[sflag:s15] =	ssyncset.done $0x0  }
0x41: {  	[sflag:s15] =	ssyncadd.s32 $0xFFFFF380  }
0x42: {  	_ =	swait.ge [sflag:s15], $0xC80  }
0x43: {  	[sflag:s15] =	ssyncset.done $0x0  }
0x44: {  	[sflag:s15] =	ssyncadd.s32 $0xFFFFF380  }
0x45: {  	_ =	swait.ge [sflag:s15], $0xC80  }
0x46: {  	[sflag:s15] =	ssyncset.done $0x0  }
0x47: {  	[sflag:s15] =	ssyncadd.s32 $0xFFFFF380  }
0x48: {  	_ =	swait.ge [sflag:s15], $0xC80  }
0x49: {  	[sflag:s15] =	ssyncset.done $0x0  }
0x4a: {  	[sflag:s15] =	ssyncadd.s32 $0xFFFFF380  }
0x4b: {  	_ =	swait.ge [sflag:s15], $0xC80  }
0x4c: {  	[sflag:s15] =	ssyncset.done $0x0  }
0x4d: {  	[sflag:s15] =	ssyncadd.s32 $0xFFFFF380  }
0x4e: {  	_ =	swait.ge [sflag:s15], $0xC80  }
0x4f: {  	[sflag:s15] =	ssyncset.done $0x0  }
0x50: {  	[sflag:s15] =	ssyncadd.s32 $0xFFFFF380  }
0x51: {  	_ =	swait.ge [sflag:s15], $0xC80  }
0x52: {  	[sflag:s15] =	ssyncset.done $0x0  }
0x53: {  	[sflag:s15] =	ssyncadd.s32 $0xFFFFF380  }
0x54: {  	_ =	swait.ge [sflag:s15], $0xC80  }
0x55: {  	[sflag:s15] =	ssyncset.done $0x0  }
0x56: {  	[sflag:s15] =	ssyncadd.s32 $0xFFFFF380  }
0x57: {  	_ =	swait.ge [sflag:s15], $0xC80  }
0x58: {  	[sflag:s15] =	ssyncset.done $0x0  }
0x59: {  	[sflag:s15] =	ssyncadd.s32 $0xFFFFF380  }
0x5a: {  	_ =	swait.ge [sflag:s15], $0xC80  }
0x5b: {  	[sflag:s15] =	ssyncset.done $0x0  }
0x5c: {  	[sflag:s15] =	ssyncadd.s32 $0xFFFFF380  }
0x5d: {  	_ =	swait.ge [sflag:s15], $0xC80  }
0x5e: {  	[sflag:s15] =	ssyncset.done $0x0  }
0x5f: {  	[sflag:s15] =	ssyncadd.s32 $0xFFFFF380  }
0x60: {  	_ =	swait.ge [sflag:s15], $0xC80  }
0x61: {  	[sflag:s15] =	ssyncset.done $0x0  }
0x62: {  	s19 =	simm.s32 $0x0;
	[sflag:s15] =	ssyncadd.s32 $0xFFFFF380  }
.LBB2_2:
0x63: {  	v0 =	vmov s18;
	_ =	sdelay $0x3  }
0x64: {  	s21 =	simm.s32 $0x0  }
0x65: {  	v2 =	vld.idx.msk [tilespmem:v0+s21+$0x10 ss:$0x1], $0xffff  }
0x66: {  	v1 =	vimm.f32 $0.0e+00;
	s20 =	simm.s32 $0x80;
	v3 =	vimm.f32 $0.0e+00;
	v4 =	vld.idx.msk [tilespmem:v0+s21+$0x0 ss:$0x1], $0xffff  }
.LBB2_3:
0x67: {  	p0 =	sne.s32 s20, $0x1880  }
.Ltmp0:
0x68: {  	_ = 	snop;
	(pc) =	sbr.rel @p0 .LBB2_3-.Ltmp0, $4  }
0x69: {  	_ = 	snop  }
0x6a: {  	s21 =	sshra.s32 s20, $0x2;
	s20 =	sadd.s32 $0x80, s20  }
0x6b: {  	v1 =	vadd.f32 v2, v1;
	v2 =	vld.idx.msk [tilespmem:v0+s21+$0x10 ss:$0x1], $0xffff  }
0x6c: {  	v3 =	vadd.f32 v4, v3;
	v4 =	vld.idx.msk [tilespmem:v0+s21+$0x0 ss:$0x1], $0xffff  }
0x6d: {  	_ =	sdelay $0x1  }
0x6e: {  	s20 =	sshll.u32 s19, $0x5;
	s19 =	sadd.s32 $0x1, s19  }
0x6f: {  	p0 =	sne.s32 s19, $0x20;
	v1 =	vadd.f32 v2, v1  }
.Ltmp1:
0x70: {  	v0 =	vadd.f32 v4, v3;
	(pc) =	sbr.rel @p0 .LBB2_2-.Ltmp1, $4  }
0x71: {  	v1 =	vmul.f32 $1.999999960e-02, v1  }
0x72: {  	s20 =	sand.u32 $0x3FFFFFE0, s20;
	v0 =	vmul.f32 $1.999999960e-02, v0  }
0x73: {  	[tilespmem:s20+$0xCE90] =	vst v1  }
0x74: {  	s18 =	sadd.s32 $0x640, s18;
	[tilespmem:s20+$0xCE80] =	vst v0  }
0x75: {  	s17 =	sadd.s32 $0x1, s17  }
0x76: {  	p0 =	sne.s32 s17, s6  }
.Ltmp2:
0x77: {  	_ = 	snop;
	(pc) =	sbr.rel @p0 .LBB2_1-.Ltmp2, $4  }
0x78: {  	[hbm4b:s5+s2] =	stream.linear.scatter [tilespmem:s16], [sflag:$0x2], $0x400, $0x38;
	[tilespmem:$0xD280] =	vst v63  }
0x79: {  	_ =	swait.ge [sflag:s7], $0x400  }
0x7a: {  	[sflag:s7] =	ssyncset.done $0x0  }
0x7b: {  	[sflag:s7] =	ssyncadd.s32 $0xFFFFFC00  }
0x7c: {  	_ =	sfence.sel $0x180000  }
0x7d: {  	[bflag:$0x0] =	sbarrier.arrive $0xFFFF  }
0x7e: {  	_ =	strace $0x90000047  }
0x7f: {  	s0 =	stileid.u32;
	[bflag:$0x2] =	sbarrier.arrive $0xFFFF  }
0x80: {  	p0 =	sne.s32 s0, $0x0;
	s0 =	rddreg [dreg:$0x2]  }
0x81: {  	s0 =	sadd.s32 @!p0 $0x100000, s0  }
0x82: {  	[sflag:s0] =	ssyncadd.tile.s32 @!p0 $0x1;
	_ =	shalt  }
.Lfunc_end2:
_tile_overlayer_lowered:
.L_overlay_start_2:
0x83: {  	(tag) =	ssettag $0x2  }
0x84: {  	s0 =	rddreg [dreg:$0x0];
	s2 =	stileid.u32  }
0x85: {  	s1 =	rddreg [dreg:$0x1];
	p0 =	sne.s32 s2, $0x0  }
0x86: {  	s3 =	rddreg [dreg:$0x2];
	[bflag:$0x3] =	sbarrier.arrive $0xFFFF;
	s2 =	simm.s32 @!p0 $0x1C02  }
0x87: {  	[timem:s3], [sflag:s2] =	dma.local @!p0 [hbm:s0], s1  }
0x88: {  	s0 =	simm.s32 @!p0 $0x2  }
0x89: {  	_ =	swait.ge @!p0 [sflag:s0], s1  }
0x8a: {  	s1 =	ssub.s32 @!p0 $0x0, s1;
	[sflag:s0] =	ssyncset.done @!p0 $0x0  }
0x8b: {  	[sflag:s0] =	ssyncadd.s32 @!p0 s1  }
0x8c: {  	[bflag:$0x3] =	sbarrier.arrive $0xFFFF  }
0x8d: {  	_ =	shalt  }

</sc_bundles>
